<compile_context>
chip_gen: v7x
topology: tpu7x:2x2x1
jax: 0.10.2.dev20260603
libtpu: 0.0.44.dev20260713+nightly
codegen_flags: <defaults>
</compile_context>

<pallas_src>
import jax
import jax.numpy as jnp
from jax import lax
from jax.experimental import pallas as pl
from jax.experimental.pallas import tpu as pltpu
from jax.experimental.pallas import tpu_sc as plsc

N = 10000
D = 128
E = 320000
NC, NS = 2, 16
NT = NC * NS
CH = 128
NCH = 80
NPH = 2
HCH = NCH // NPH
EPT = CH * NCH
E_PAD = EPT * NT
N_ACC = 10240
RPT = N_ACC // NS
DUMP = N
BR = 10000
NB = N // BR



def _sc_agg_body(h_hbm, src_hbm, dst_hbm, zeros_hbm, out_hbm,
                 src_v, dst_v, buf_0, buf_1, accum, gs_0, gs_1):
    cid = lax.axis_index("c")
    sid = lax.axis_index("s")
    wid = cid * NS + sid
    bufs = (buf_0, buf_1)
    gsem = (gs_0, gs_1)

    def _gather_start(c, j):
        pltpu.make_async_copy(h_hbm.at[src_v.at[c]], bufs[j], gsem[j]).start()

    def _gather_wait(c, j):
        pltpu.make_async_copy(h_hbm.at[src_v.at[c]], bufs[j], gsem[j]).wait()

    def _inner(g):
        _gather_start(g + 1, 1)
        _gather_wait(g, 0)
        pltpu.sync_copy(bufs[0], accum.at[dst_v.at[g]], add=True)

        @pl.when(g + 2 < HCH)
        def _():
            _gather_start(g + 2, 0)

        _gather_wait(g + 1, 1)
        pltpu.sync_copy(bufs[1], accum.at[dst_v.at[g + 1]], add=True)

    pltpu.sync_copy(src_hbm.at[wid, pl.ds(0, HCH)], src_v)
    _gather_start(0, 0)
    pltpu.sync_copy(dst_hbm.at[wid, pl.ds(0, HCH)], dst_v)
    pltpu.sync_copy(zeros_hbm, accum.at[pl.ds(sid * RPT, RPT)])
    plsc.subcore_barrier()

    for p in range(NPH):
        if p > 0:
            pltpu.sync_copy(src_hbm.at[wid, pl.ds(p * HCH, HCH)], src_v)
            pltpu.sync_copy(dst_hbm.at[wid, pl.ds(p * HCH, HCH)], dst_v)
            _gather_start(0, 0)
        pl.loop(0, HCH, step=2)(_inner)

    plsc.subcore_barrier()
    pltpu.sync_copy(accum.at[pl.ds(sid * RPT, RPT)],
                    out_hbm.at[cid, pl.ds(sid * RPT, RPT)])


_sc_agg = pl.kernel(
    _sc_agg_body,
    out_type=jax.ShapeDtypeStruct((NC, N_ACC, D), jnp.float32),
    mesh=plsc.VectorSubcoreMesh(core_axis_name="c", subcore_axis_name="s",
                                num_cores=NC, num_subcores=NS),
    scratch_types=[
        pltpu.VMEM((HCH, CH), jnp.int32),
        pltpu.VMEM((HCH, CH), jnp.int32),
        pltpu.VMEM((CH, D), jnp.float32),
        pltpu.VMEM((CH, D), jnp.float32),
        pltpu.VMEM_SHARED((N_ACC, D), jnp.float32),
        pltpu.SemaphoreType.DMA,
        pltpu.SemaphoreType.DMA,
    ],
)



def _mm_bias_body(x_ref, w_ref, b_ref, o_ref):
    o_ref[...] = lax.dot_general(
        x_ref[...], w_ref[...], (((1,), (1,)), ((), ())),
        preferred_element_type=jnp.float32) + b_ref[...]


def _agg_mm_body(p_ref, w_ref, b_ref, o_ref):
    a = jnp.maximum(p_ref[0] + p_ref[1], 0.0)
    o_ref[...] = lax.dot_general(
        a, w_ref[...], (((1,), (1,)), ((), ())),
        preferred_element_type=jnp.float32) + b_ref[...]


def _relu_agg_body(p_ref, o_ref):
    o_ref[...] = jnp.maximum(p_ref[0] + p_ref[1], 0.0)


_w_spec = pl.BlockSpec((D, D), lambda i: (0, 0))
_b_spec = pl.BlockSpec((1, D), lambda i: (0, 0))
_row_spec = pl.BlockSpec((BR, D), lambda i: (i, 0))
_p_spec = pl.BlockSpec((NC, BR, D), lambda i: (0, i, 0))

_mm_bias = pl.pallas_call(
    _mm_bias_body,
    grid=(NB,),
    in_specs=[_row_spec, _w_spec, _b_spec],
    out_specs=_row_spec,
    out_shape=jax.ShapeDtypeStruct((N, D), jnp.float32),
)

_agg_mm = pl.pallas_call(
    _agg_mm_body,
    grid=(NB,),
    in_specs=[_p_spec, _w_spec, _b_spec],
    out_specs=_row_spec,
    out_shape=jax.ShapeDtypeStruct((N, D), jnp.float32),
)

_relu_agg = pl.pallas_call(
    _relu_agg_body,
    grid=(NB,),
    in_specs=[_p_spec],
    out_specs=_row_spec,
    out_shape=jax.ShapeDtypeStruct((N, D), jnp.float32),
)


def kernel(x, edge_index, W0, b0, W1, b1):
    ept_real = E // NT
    padt = EPT - ept_real
    src = edge_index[0].astype(jnp.int32).reshape(NT, ept_real)
    dst = edge_index[1].astype(jnp.int32).reshape(NT, ept_real)
    pad_src = jnp.broadcast_to(jnp.arange(padt, dtype=jnp.int32), (NT, padt))
    pad_dst = jnp.broadcast_to(DUMP + jnp.arange(padt, dtype=jnp.int32), (NT, padt))
    src = jnp.concatenate([src, pad_src], axis=1).reshape(NT, NCH, CH)
    dst = jnp.concatenate([dst, pad_dst], axis=1).reshape(NT, NCH, CH)
    zeros = jnp.zeros((RPT, D), jnp.float32)
    b0r = b0.reshape(1, D)
    b1r = b1.reshape(1, D)

    h1 = _mm_bias(x, W0, b0r)
    p = _sc_agg(h1, src, dst, zeros)
    h2 = _agg_mm(p, W1, b1r)
    q = _sc_agg(h2, src, dst, zeros)
    return _relu_agg(q)

# --- scband reference (transcript-rebuilt; emitter-appended) ---
"""Pipeline reference for scband-gnn-18588618457604 (READ-ONLY COPY).

The authoritative reference and input builder live on the scoring server;
editing this copy changes nothing except your own understanding.
"""

import jax, jax.numpy as jnp
import numpy as np

N_NODES = 10000
N_EDGES = 320000
D_IN = 128
D_HID = 128
D_OUT = 128

def setup_inputs(seed: int = 0) -> dict:
    key = jax.random.key(seed)
    k1, k2, k3, k4, k5, k6 = jax.random.split(key, 6)
    x = jax.random.normal(k1, (N_NODES, D_IN), dtype=jnp.float32)
    edge_index = jax.random.randint(k2, (2, N_EDGES), 0, N_NODES, dtype=jnp.int64)
    # Linear params (kaiming-uniform-ish init)
    lim0 = 1.0 / np.sqrt(D_IN)
    W0 = jax.random.uniform(k3, (D_HID, D_IN), minval=-lim0, maxval=lim0, dtype=jnp.float32)
    b0 = jax.random.uniform(k4, (D_HID,), minval=-lim0, maxval=lim0, dtype=jnp.float32)
    lim1 = 1.0 / np.sqrt(D_HID)
    W1 = jax.random.uniform(k5, (D_OUT, D_HID), minval=-lim1, maxval=lim1, dtype=jnp.float32)
    b1 = jax.random.uniform(k6, (D_OUT,), minval=-lim1, maxval=lim1, dtype=jnp.float32)
    return {"x": x, "edge_index": edge_index, "W0": W0, "b0": b0, "W1": W1, "b1": b1}

def _gnn_layer(x, W, b, src, dst):
    # x = self.linear(x)
    h = x @ W.T + b
    # message: x_j = h[src]; aggregate: scatter-add at dst; update: relu
    msg = jnp.take(h, src, axis=0)
    aggr = jnp.zeros((x.shape[0], W.shape[0]), dtype=h.dtype).at[dst].add(msg)
    return jax.nn.relu(aggr)

def reference(x, edge_index, W0, b0, W1, b1):
    src = edge_index[0]
    dst = edge_index[1]
    # layer 0 + outer relu (dropout is identity in eval mode)
    h = _gnn_layer(x, W0, b0, src, dst)
    h = jax.nn.relu(h)
    # last layer
    out = _gnn_layer(h, W1, b1, src, dst)
    return out

if __name__ == "__main__":
    import jax
    _d = setup_inputs()
    print(jax.jit(kernel)(*tuple(_d.values())))

</pallas_src>

<mosaic_0001>
#map = affine_map<(d0, d1) -> (0, 0)>
#map1 = affine_map<(d0, d1) -> (0, 0, 0)>
module attributes {stable_mosaic.version = 14 : i64} {
  func.func @_sc_agg_body(%arg0: i32, %arg1: i32, %arg2: memref<10000x128xf32, #tpu.memory_space<hbm>>, %arg3: memref<32x80x128xi32, #tpu.memory_space<hbm>>, %arg4: memref<32x80x128xi32, #tpu.memory_space<hbm>>, %arg5: memref<640x128xf32, #tpu.memory_space<hbm>>, %arg6: memref<2x10240x128xf32, #tpu.memory_space<hbm>>, %arg7: memref<40x128xi32, #tpu.memory_space<vmem>>, %arg8: memref<40x128xi32, #tpu.memory_space<vmem>>, %arg9: memref<128x128xf32, #tpu.memory_space<vmem>>, %arg10: memref<128x128xf32, #tpu.memory_space<vmem>>, %arg11: memref<10240x128xf32, #tpu.memory_space<vmem_shared>>, %arg12: memref<!tpu.dma_semaphore, #tpu.memory_space<semaphore_mem>>, %arg13: memref<!tpu.dma_semaphore, #tpu.memory_space<semaphore_mem>>) attributes {dimension_semantics = [#tpu.dimension_semantics<core_parallel>, #tpu.dimension_semantics<subcore_parallel>], iteration_bounds = array<i64: 2, 16>, scalar_prefetch = 0 : i64, scratch_operands = 7 : i64, tpu.core_type = #tpu.core_type<sc_vector_subcore>, window_params = [{transform_indices = #map}, {transform_indices = #map1}, {transform_indices = #map1}, {transform_indices = #map}, {transform_indices = #map1}]} {
    %mul3A = arith.constant 16 : i32
    %mul3A_0 = arith.muli %arg0, %mul3A : i32
    %add3A = arith.addi %mul3A_0, %arg1 : i32
    "tpu.region"() ({
      %run_scoped3A = tpu.sem_alloc : memref<!tpu.dma_semaphore, #tpu.memory_space<semaphore_mem>>
      %dma_start3A_30 = arith.constant 0 : i32
      %dma_start3A_31 = arith.constant 0 : i32
      %dma_start3A_32 = tpu.memref_slice %arg3[%add3A, %dma_start3A_30, %dma_start3A_31] : memref<32x80x128xi32, #tpu.memory_space<hbm>> -> memref<1x40x128xi32, #tpu.memory_space<hbm>>
      %dma_start3A_33 = tpu.memref_squeeze %dma_start3A_32 : memref<1x40x128xi32, #tpu.memory_space<hbm>> -> memref<40x128xi32, #tpu.memory_space<hbm>>
      %dma_start3A_34 = arith.constant 0 : i32
      %dma_start3A_35 = arith.constant 0 : i32
      %dma_start3A_36 = tpu.memref_slice %arg3[%add3A, %dma_start3A_34, %dma_start3A_35] : memref<32x80x128xi32, #tpu.memory_space<hbm>> -> memref<1x40x128xi32, #tpu.memory_space<hbm>>
      %dma_start3A_37 = tpu.memref_squeeze %dma_start3A_36 : memref<1x40x128xi32, #tpu.memory_space<hbm>> -> memref<40x128xi32, #tpu.memory_space<hbm>>
      tpu.enqueue_dma source(%dma_start3A_37 : memref<40x128xi32, #tpu.memory_space<hbm>>) target(%arg7 : memref<40x128xi32, #tpu.memory_space<vmem>>) target_semaphore(%run_scoped3A : memref<!tpu.dma_semaphore, #tpu.memory_space<semaphore_mem>>)
      %dma_wait3A = arith.constant 0 : i32
      %dma_wait3A_38 = arith.constant 0 : i32
      %dma_wait3A_39 = tpu.memref_slice %arg3[%add3A, %dma_wait3A, %dma_wait3A_38] : memref<32x80x128xi32, #tpu.memory_space<hbm>> -> memref<1x40x128xi32, #tpu.memory_space<hbm>>
      %dma_wait3A_40 = tpu.memref_squeeze %dma_wait3A_39 : memref<1x40x128xi32, #tpu.memory_space<hbm>> -> memref<40x128xi32, #tpu.memory_space<hbm>>
      %dma_wait3A_41 = arith.constant 0 : i32
      %dma_wait3A_42 = arith.constant 0 : i32
      %dma_wait3A_43 = tpu.memref_slice %arg3[%add3A, %dma_wait3A_41, %dma_wait3A_42] : memref<32x80x128xi32, #tpu.memory_space<hbm>> -> memref<1x40x128xi32, #tpu.memory_space<hbm>>
      %dma_wait3A_44 = tpu.memref_squeeze %dma_wait3A_43 : memref<1x40x128xi32, #tpu.memory_space<hbm>> -> memref<40x128xi32, #tpu.memory_space<hbm>>
      tpu.wait_dma2 semaphore(%run_scoped3A : memref<!tpu.dma_semaphore, #tpu.memory_space<semaphore_mem>>) src(%dma_wait3A_44 : memref<40x128xi32, #tpu.memory_space<hbm>>) dst(%arg7 : memref<40x128xi32, #tpu.memory_space<vmem>>)
      tpu.yield
    }) : () -> ()
    %dma_start3A = arith.constant 0 : i32
    %dma_start3A_1 = arith.constant 0 : i32
    %dma_start3A_2 = tpu.memref_slice %arg7[%dma_start3A, %dma_start3A_1] : memref<40x128xi32, #tpu.memory_space<vmem>> -> memref<1x128xi32, #tpu.memory_space<vmem>>
    %dma_start3A_3 = tpu.memref_squeeze %dma_start3A_2 : memref<1x128xi32, #tpu.memory_space<vmem>> -> memref<128xi32, #tpu.memory_space<vmem>>
    %dma_start3A_4 = arith.constant 0 : i32
    %dma_start3A_5 = arith.constant 0 : i32
    %dma_start3A_6 = tpu.memref_slice %arg2[%dma_start3A_4, %dma_start3A_5] : memref<10000x128xf32, #tpu.memory_space<hbm>> -> memref<10000x128xf32, #tpu.memory_space<hbm>>
    tpu.enqueue_indirect_dma source(%dma_start3A_6 : memref<10000x128xf32, #tpu.memory_space<hbm>>) target(%arg9 : memref<128x128xf32, #tpu.memory_space<vmem>>) offsets(%dma_start3A_3 : memref<128xi32, #tpu.memory_space<vmem>>) semaphore(%arg12 : memref<!tpu.dma_semaphore, #tpu.memory_space<semaphore_mem>>)
    "tpu.region"() ({
      %run_scoped3A = tpu.sem_alloc : memref<!tpu.dma_semaphore, #tpu.memory_space<semaphore_mem>>
      %dma_start3A_30 = arith.constant 0 : i32
      %dma_start3A_31 = arith.constant 0 : i32
      %dma_start3A_32 = tpu.memref_slice %arg4[%add3A, %dma_start3A_30, %dma_start3A_31] : memref<32x80x128xi32, #tpu.memory_space<hbm>> -> memref<1x40x128xi32, #tpu.memory_space<hbm>>
      %dma_start3A_33 = tpu.memref_squeeze %dma_start3A_32 : memref<1x40x128xi32, #tpu.memory_space<hbm>> -> memref<40x128xi32, #tpu.memory_space<hbm>>
      %dma_start3A_34 = arith.constant 0 : i32
      %dma_start3A_35 = arith.constant 0 : i32
      %dma_start3A_36 = tpu.memref_slice %arg4[%add3A, %dma_start3A_34, %dma_start3A_35] : memref<32x80x128xi32, #tpu.memory_space<hbm>> -> memref<1x40x128xi32, #tpu.memory_space<hbm>>
      %dma_start3A_37 = tpu.memref_squeeze %dma_start3A_36 : memref<1x40x128xi32, #tpu.memory_space<hbm>> -> memref<40x128xi32, #tpu.memory_space<hbm>>
      tpu.enqueue_dma source(%dma_start3A_37 : memref<40x128xi32, #tpu.memory_space<hbm>>) target(%arg8 : memref<40x128xi32, #tpu.memory_space<vmem>>) target_semaphore(%run_scoped3A : memref<!tpu.dma_semaphore, #tpu.memory_space<semaphore_mem>>)
      %dma_wait3A = arith.constant 0 : i32
      %dma_wait3A_38 = arith.constant 0 : i32
      %dma_wait3A_39 = tpu.memref_slice %arg4[%add3A, %dma_wait3A, %dma_wait3A_38] : memref<32x80x128xi32, #tpu.memory_space<hbm>> -> memref<1x40x128xi32, #tpu.memory_space<hbm>>
      %dma_wait3A_40 = tpu.memref_squeeze %dma_wait3A_39 : memref<1x40x128xi32, #tpu.memory_space<hbm>> -> memref<40x128xi32, #tpu.memory_space<hbm>>
      %dma_wait3A_41 = arith.constant 0 : i32
      %dma_wait3A_42 = arith.constant 0 : i32
      %dma_wait3A_43 = tpu.memref_slice %arg4[%add3A, %dma_wait3A_41, %dma_wait3A_42] : memref<32x80x128xi32, #tpu.memory_space<hbm>> -> memref<1x40x128xi32, #tpu.memory_space<hbm>>
      %dma_wait3A_44 = tpu.memref_squeeze %dma_wait3A_43 : memref<1x40x128xi32, #tpu.memory_space<hbm>> -> memref<40x128xi32, #tpu.memory_space<hbm>>
      tpu.wait_dma2 semaphore(%run_scoped3A : memref<!tpu.dma_semaphore, #tpu.memory_space<semaphore_mem>>) src(%dma_wait3A_44 : memref<40x128xi32, #tpu.memory_space<hbm>>) dst(%arg8 : memref<40x128xi32, #tpu.memory_space<vmem>>)
      tpu.yield
    }) : () -> ()
    %mul3A_7 = arith.constant 640 : i32
    %mul3A_8 = arith.muli %arg1, %mul3A_7 : i32
    "tpu.region"() ({
      %run_scoped3A = tpu.sem_alloc : memref<!tpu.dma_semaphore, #tpu.memory_space<semaphore_mem>>
      %dma_start3A_30 = arith.constant 0 : i32
      %dma_start3A_31 = tpu.memref_slice %arg11[%mul3A_8, %dma_start3A_30] : memref<10240x128xf32, #tpu.memory_space<vmem_shared>> -> memref<640x128xf32, #tpu.memory_space<vmem_shared>>
      tpu.enqueue_dma source(%arg5 : memref<640x128xf32, #tpu.memory_space<hbm>>) target(%dma_start3A_31 : memref<640x128xf32, #tpu.memory_space<vmem_shared>>) target_semaphore(%run_scoped3A : memref<!tpu.dma_semaphore, #tpu.memory_space<semaphore_mem>>)
      %dma_wait3A = arith.constant 0 : i32
      %dma_wait3A_32 = tpu.memref_slice %arg11[%mul3A_8, %dma_wait3A] : memref<10240x128xf32, #tpu.memory_space<vmem_shared>> -> memref<640x128xf32, #tpu.memory_space<vmem_shared>>
      tpu.wait_dma2 semaphore(%run_scoped3A : memref<!tpu.dma_semaphore, #tpu.memory_space<semaphore_mem>>) src(%arg5 : memref<640x128xf32, #tpu.memory_space<hbm>>) dst(%dma_wait3A_32 : memref<640x128xf32, #tpu.memory_space<vmem_shared>>)
      tpu.yield
    }) : () -> ()
    %barrier3A = arith.constant 0 : index
    tpu.barrier barrier_id(%barrier3A)
    %scan3A = arith.constant 0 : i32
    %scan3A_9 = arith.constant 20 : i32
    %scan3A_10 = arith.addi %scan3A, %scan3A_9 : i32
    %scan3A_11 = arith.constant 1 : i32
    scf.for %scan3A_30 = %scan3A to %scan3A_10 step %scan3A_11  : i32 {
      %mul3A_31 = arith.constant 2 : i32
      %mul3A_32 = arith.muli %scan3A_30, %mul3A_31 : i32
      %add3A_33 = arith.constant 0 : i32
      %add3A_34 = arith.addi %add3A_33, %mul3A_32 : i32
      %add3A_35 = arith.constant 1 : i32
      %add3A_36 = arith.addi %add3A_34, %add3A_35 : i32
      %dma_start3A_37 = arith.constant 0 : i32
      %dma_start3A_38 = tpu.memref_slice %arg7[%add3A_36, %dma_start3A_37] : memref<40x128xi32, #tpu.memory_space<vmem>> -> memref<1x128xi32, #tpu.memory_space<vmem>>
      %dma_start3A_39 = tpu.memref_squeeze %dma_start3A_38 : memref<1x128xi32, #tpu.memory_space<vmem>> -> memref<128xi32, #tpu.memory_space<vmem>>
      %dma_start3A_40 = arith.constant 0 : i32
      %dma_start3A_41 = arith.constant 0 : i32
      %dma_start3A_42 = tpu.memref_slice %arg2[%dma_start3A_40, %dma_start3A_41] : memref<10000x128xf32, #tpu.memory_space<hbm>> -> memref<10000x128xf32, #tpu.memory_space<hbm>>
      tpu.enqueue_indirect_dma source(%dma_start3A_42 : memref<10000x128xf32, #tpu.memory_space<hbm>>) target(%arg10 : memref<128x128xf32, #tpu.memory_space<vmem>>) offsets(%dma_start3A_39 : memref<128xi32, #tpu.memory_space<vmem>>) semaphore(%arg13 : memref<!tpu.dma_semaphore, #tpu.memory_space<semaphore_mem>>)
      %dma_wait3A = arith.constant 0 : i32
      %dma_wait3A_43 = tpu.memref_slice %arg7[%add3A_34, %dma_wait3A] : memref<40x128xi32, #tpu.memory_space<vmem>> -> memref<1x128xi32, #tpu.memory_space<vmem>>
      %dma_wait3A_44 = tpu.memref_squeeze %dma_wait3A_43 : memref<1x128xi32, #tpu.memory_space<vmem>> -> memref<128xi32, #tpu.memory_space<vmem>>
      %dma_wait3A_45 = arith.constant 0 : i32
      %dma_wait3A_46 = arith.constant 0 : i32
      %dma_wait3A_47 = tpu.memref_slice %arg2[%dma_wait3A_45, %dma_wait3A_46] : memref<10000x128xf32, #tpu.memory_space<hbm>> -> memref<10000x128xf32, #tpu.memory_space<hbm>>
      tpu.wait_indirect_dma semaphore(%arg12 : memref<!tpu.dma_semaphore, #tpu.memory_space<semaphore_mem>>) src(%dma_wait3A_47 : memref<10000x128xf32, #tpu.memory_space<hbm>>) dst(%arg9 : memref<128x128xf32, #tpu.memory_space<vmem>>)
      "tpu.region"() ({
        %run_scoped3A = tpu.sem_alloc : memref<!tpu.dma_semaphore, #tpu.memory_space<semaphore_mem>>
        %dma_start3A_62 = arith.constant 0 : i32
        %dma_start3A_63 = tpu.memref_slice %arg8[%add3A_34, %dma_start3A_62] : memref<40x128xi32, #tpu.memory_space<vmem>> -> memref<1x128xi32, #tpu.memory_space<vmem>>
        %dma_start3A_64 = tpu.memref_squeeze %dma_start3A_63 : memref<1x128xi32, #tpu.memory_space<vmem>> -> memref<128xi32, #tpu.memory_space<vmem>>
        %dma_start3A_65 = arith.constant 0 : i32
        %dma_start3A_66 = arith.constant 0 : i32
        %dma_start3A_67 = tpu.memref_slice %arg11[%dma_start3A_65, %dma_start3A_66] : memref<10240x128xf32, #tpu.memory_space<vmem_shared>> -> memref<10240x128xf32, #tpu.memory_space<vmem_shared>>
        tpu.enqueue_indirect_dma source(%arg9 : memref<128x128xf32, #tpu.memory_space<vmem>>) target(%dma_start3A_67 : memref<10240x128xf32, #tpu.memory_space<vmem_shared>>) offsets(%dma_start3A_64 : memref<128xi32, #tpu.memory_space<vmem>>) semaphore(%run_scoped3A : memref<!tpu.dma_semaphore, #tpu.memory_space<semaphore_mem>>) {add = true}
        %dma_wait3A_68 = arith.constant 0 : i32
        %dma_wait3A_69 = tpu.memref_slice %arg8[%add3A_34, %dma_wait3A_68] : memref<40x128xi32, #tpu.memory_space<vmem>> -> memref<1x128xi32, #tpu.memory_space<vmem>>
        %dma_wait3A_70 = tpu.memref_squeeze %dma_wait3A_69 : memref<1x128xi32, #tpu.memory_space<vmem>> -> memref<128xi32, #tpu.memory_space<vmem>>
        %dma_wait3A_71 = arith.constant 0 : i32
        %dma_wait3A_72 = arith.constant 0 : i32
        %dma_wait3A_73 = tpu.memref_slice %arg11[%dma_wait3A_71, %dma_wait3A_72] : memref<10240x128xf32, #tpu.memory_space<vmem_shared>> -> memref<10240x128xf32, #tpu.memory_space<vmem_shared>>
        tpu.wait_indirect_dma semaphore(%run_scoped3A : memref<!tpu.dma_semaphore, #tpu.memory_space<semaphore_mem>>) src(%arg9 : memref<128x128xf32, #tpu.memory_space<vmem>>) dst(%dma_wait3A_73 : memref<10240x128xf32, #tpu.memory_space<vmem_shared>>)
        tpu.yield
      }) : () -> ()
      %add3A_48 = arith.constant 2 : i32
      %add3A_49 = arith.addi %add3A_34, %add3A_48 : i32
      %lt3A = arith.constant 40 : i32
      %lt3A_50 = arith.cmpi slt, %add3A_49, %lt3A : i32
      %convert_element_type3A = arith.extui %lt3A_50 : i1 to i32
      %cond3A = arith.constant 0 : i32
      %cond3A_51 = arith.cmpi ne, %convert_element_type3A, %cond3A : i32
      scf.if %cond3A_51 {
        %add3A_62 = arith.constant 2 : i32
        %add3A_63 = arith.addi %add3A_34, %add3A_62 : i32
        %dma_start3A_64 = arith.constant 0 : i32
        %dma_start3A_65 = tpu.memref_slice %arg7[%add3A_63, %dma_start3A_64] : memref<40x128xi32, #tpu.memory_space<vmem>> -> memref<1x128xi32, #tpu.memory_space<vmem>>
        %dma_start3A_66 = tpu.memref_squeeze %dma_start3A_65 : memref<1x128xi32, #tpu.memory_space<vmem>> -> memref<128xi32, #tpu.memory_space<vmem>>
        %dma_start3A_67 = arith.constant 0 : i32
        %dma_start3A_68 = arith.constant 0 : i32
        %dma_start3A_69 = tpu.memref_slice %arg2[%dma_start3A_67, %dma_start3A_68] : memref<10000x128xf32, #tpu.memory_space<hbm>> -> memref<10000x128xf32, #tpu.memory_space<hbm>>
        tpu.enqueue_indirect_dma source(%dma_start3A_69 : memref<10000x128xf32, #tpu.memory_space<hbm>>) target(%arg9 : memref<128x128xf32, #tpu.memory_space<vmem>>) offsets(%dma_start3A_66 : memref<128xi32, #tpu.memory_space<vmem>>) semaphore(%arg12 : memref<!tpu.dma_semaphore, #tpu.memory_space<semaphore_mem>>)
      } else {
      }
      %add3A_52 = arith.constant 1 : i32
      %add3A_53 = arith.addi %add3A_34, %add3A_52 : i32
      %dma_wait3A_54 = arith.constant 0 : i32
      %dma_wait3A_55 = tpu.memref_slice %arg7[%add3A_53, %dma_wait3A_54] : memref<40x128xi32, #tpu.memory_space<vmem>> -> memref<1x128xi32, #tpu.memory_space<vmem>>
      %dma_wait3A_56 = tpu.memref_squeeze %dma_wait3A_55 : memref<1x128xi32, #tpu.memory_space<vmem>> -> memref<128xi32, #tpu.memory_space<vmem>>
      %dma_wait3A_57 = arith.constant 0 : i32
      %dma_wait3A_58 = arith.constant 0 : i32
      %dma_wait3A_59 = tpu.memref_slice %arg2[%dma_wait3A_57, %dma_wait3A_58] : memref<10000x128xf32, #tpu.memory_space<hbm>> -> memref<10000x128xf32, #tpu.memory_space<hbm>>
      tpu.wait_indirect_dma semaphore(%arg13 : memref<!tpu.dma_semaphore, #tpu.memory_space<semaphore_mem>>) src(%dma_wait3A_59 : memref<10000x128xf32, #tpu.memory_space<hbm>>) dst(%arg10 : memref<128x128xf32, #tpu.memory_space<vmem>>)
      %add3A_60 = arith.constant 1 : i32
      %add3A_61 = arith.addi %add3A_34, %add3A_60 : i32
      "tpu.region"() ({
        %run_scoped3A = tpu.sem_alloc : memref<!tpu.dma_semaphore, #tpu.memory_space<semaphore_mem>>
        %dma_start3A_62 = arith.constant 0 : i32
        %dma_start3A_63 = tpu.memref_slice %arg8[%add3A_61, %dma_start3A_62] : memref<40x128xi32, #tpu.memory_space<vmem>> -> memref<1x128xi32, #tpu.memory_space<vmem>>
        %dma_start3A_64 = tpu.memref_squeeze %dma_start3A_63 : memref<1x128xi32, #tpu.memory_space<vmem>> -> memref<128xi32, #tpu.memory_space<vmem>>
        %dma_start3A_65 = arith.constant 0 : i32
        %dma_start3A_66 = arith.constant 0 : i32
        %dma_start3A_67 = tpu.memref_slice %arg11[%dma_start3A_65, %dma_start3A_66] : memref<10240x128xf32, #tpu.memory_space<vmem_shared>> -> memref<10240x128xf32, #tpu.memory_space<vmem_shared>>
        tpu.enqueue_indirect_dma source(%arg10 : memref<128x128xf32, #tpu.memory_space<vmem>>) target(%dma_start3A_67 : memref<10240x128xf32, #tpu.memory_space<vmem_shared>>) offsets(%dma_start3A_64 : memref<128xi32, #tpu.memory_space<vmem>>) semaphore(%run_scoped3A : memref<!tpu.dma_semaphore, #tpu.memory_space<semaphore_mem>>) {add = true}
        %dma_wait3A_68 = arith.constant 0 : i32
        %dma_wait3A_69 = tpu.memref_slice %arg8[%add3A_61, %dma_wait3A_68] : memref<40x128xi32, #tpu.memory_space<vmem>> -> memref<1x128xi32, #tpu.memory_space<vmem>>
        %dma_wait3A_70 = tpu.memref_squeeze %dma_wait3A_69 : memref<1x128xi32, #tpu.memory_space<vmem>> -> memref<128xi32, #tpu.memory_space<vmem>>
        %dma_wait3A_71 = arith.constant 0 : i32
        %dma_wait3A_72 = arith.constant 0 : i32
        %dma_wait3A_73 = tpu.memref_slice %arg11[%dma_wait3A_71, %dma_wait3A_72] : memref<10240x128xf32, #tpu.memory_space<vmem_shared>> -> memref<10240x128xf32, #tpu.memory_space<vmem_shared>>
        tpu.wait_indirect_dma semaphore(%run_scoped3A : memref<!tpu.dma_semaphore, #tpu.memory_space<semaphore_mem>>) src(%arg10 : memref<128x128xf32, #tpu.memory_space<vmem>>) dst(%dma_wait3A_73 : memref<10240x128xf32, #tpu.memory_space<vmem_shared>>)
        tpu.yield
      }) : () -> ()
    }
    %scan3A_12 = arith.constant 20 : i32
    "tpu.region"() ({
      %run_scoped3A = tpu.sem_alloc : memref<!tpu.dma_semaphore, #tpu.memory_space<semaphore_mem>>
      %dma_start3A_30 = arith.constant 40 : i32
      %dma_start3A_31 = arith.constant 0 : i32
      %dma_start3A_32 = tpu.memref_slice %arg3[%add3A, %dma_start3A_30, %dma_start3A_31] : memref<32x80x128xi32, #tpu.memory_space<hbm>> -> memref<1x40x128xi32, #tpu.memory_space<hbm>>
      %dma_start3A_33 = tpu.memref_squeeze %dma_start3A_32 : memref<1x40x128xi32, #tpu.memory_space<hbm>> -> memref<40x128xi32, #tpu.memory_space<hbm>>
      %dma_start3A_34 = arith.constant 40 : i32
      %dma_start3A_35 = arith.constant 0 : i32
      %dma_start3A_36 = tpu.memref_slice %arg3[%add3A, %dma_start3A_34, %dma_start3A_35] : memref<32x80x128xi32, #tpu.memory_space<hbm>> -> memref<1x40x128xi32, #tpu.memory_space<hbm>>
      %dma_start3A_37 = tpu.memref_squeeze %dma_start3A_36 : memref<1x40x128xi32, #tpu.memory_space<hbm>> -> memref<40x128xi32, #tpu.memory_space<hbm>>
      tpu.enqueue_dma source(%dma_start3A_37 : memref<40x128xi32, #tpu.memory_space<hbm>>) target(%arg7 : memref<40x128xi32, #tpu.memory_space<vmem>>) target_semaphore(%run_scoped3A : memref<!tpu.dma_semaphore, #tpu.memory_space<semaphore_mem>>)
      %dma_wait3A = arith.constant 40 : i32
      %dma_wait3A_38 = arith.constant 0 : i32
      %dma_wait3A_39 = tpu.memref_slice %arg3[%add3A, %dma_wait3A, %dma_wait3A_38] : memref<32x80x128xi32, #tpu.memory_space<hbm>> -> memref<1x40x128xi32, #tpu.memory_space<hbm>>
      %dma_wait3A_40 = tpu.memref_squeeze %dma_wait3A_39 : memref<1x40x128xi32, #tpu.memory_space<hbm>> -> memref<40x128xi32, #tpu.memory_space<hbm>>
      %dma_wait3A_41 = arith.constant 40 : i32
      %dma_wait3A_42 = arith.constant 0 : i32
      %dma_wait3A_43 = tpu.memref_slice %arg3[%add3A, %dma_wait3A_41, %dma_wait3A_42] : memref<32x80x128xi32, #tpu.memory_space<hbm>> -> memref<1x40x128xi32, #tpu.memory_space<hbm>>
      %dma_wait3A_44 = tpu.memref_squeeze %dma_wait3A_43 : memref<1x40x128xi32, #tpu.memory_space<hbm>> -> memref<40x128xi32, #tpu.memory_space<hbm>>
      tpu.wait_dma2 semaphore(%run_scoped3A : memref<!tpu.dma_semaphore, #tpu.memory_space<semaphore_mem>>) src(%dma_wait3A_44 : memref<40x128xi32, #tpu.memory_space<hbm>>) dst(%arg7 : memref<40x128xi32, #tpu.memory_space<vmem>>)
      tpu.yield
    }) : () -> ()
    "tpu.region"() ({
      %run_scoped3A = tpu.sem_alloc : memref<!tpu.dma_semaphore, #tpu.memory_space<semaphore_mem>>
      %dma_start3A_30 = arith.constant 40 : i32
      %dma_start3A_31 = arith.constant 0 : i32
      %dma_start3A_32 = tpu.memref_slice %arg4[%add3A, %dma_start3A_30, %dma_start3A_31] : memref<32x80x128xi32, #tpu.memory_space<hbm>> -> memref<1x40x128xi32, #tpu.memory_space<hbm>>
      %dma_start3A_33 = tpu.memref_squeeze %dma_start3A_32 : memref<1x40x128xi32, #tpu.memory_space<hbm>> -> memref<40x128xi32, #tpu.memory_space<hbm>>
      %dma_start3A_34 = arith.constant 40 : i32
      %dma_start3A_35 = arith.constant 0 : i32
      %dma_start3A_36 = tpu.memref_slice %arg4[%add3A, %dma_start3A_34, %dma_start3A_35] : memref<32x80x128xi32, #tpu.memory_space<hbm>> -> memref<1x40x128xi32, #tpu.memory_space<hbm>>
      %dma_start3A_37 = tpu.memref_squeeze %dma_start3A_36 : memref<1x40x128xi32, #tpu.memory_space<hbm>> -> memref<40x128xi32, #tpu.memory_space<hbm>>
      tpu.enqueue_dma source(%dma_start3A_37 : memref<40x128xi32, #tpu.memory_space<hbm>>) target(%arg8 : memref<40x128xi32, #tpu.memory_space<vmem>>) target_semaphore(%run_scoped3A : memref<!tpu.dma_semaphore, #tpu.memory_space<semaphore_mem>>)
      %dma_wait3A = arith.constant 40 : i32
      %dma_wait3A_38 = arith.constant 0 : i32
      %dma_wait3A_39 = tpu.memref_slice %arg4[%add3A, %dma_wait3A, %dma_wait3A_38] : memref<32x80x128xi32, #tpu.memory_space<hbm>> -> memref<1x40x128xi32, #tpu.memory_space<hbm>>
      %dma_wait3A_40 = tpu.memref_squeeze %dma_wait3A_39 : memref<1x40x128xi32, #tpu.memory_space<hbm>> -> memref<40x128xi32, #tpu.memory_space<hbm>>
      %dma_wait3A_41 = arith.constant 40 : i32
      %dma_wait3A_42 = arith.constant 0 : i32
      %dma_wait3A_43 = tpu.memref_slice %arg4[%add3A, %dma_wait3A_41, %dma_wait3A_42] : memref<32x80x128xi32, #tpu.memory_space<hbm>> -> memref<1x40x128xi32, #tpu.memory_space<hbm>>
      %dma_wait3A_44 = tpu.memref_squeeze %dma_wait3A_43 : memref<1x40x128xi32, #tpu.memory_space<hbm>> -> memref<40x128xi32, #tpu.memory_space<hbm>>
      tpu.wait_dma2 semaphore(%run_scoped3A : memref<!tpu.dma_semaphore, #tpu.memory_space<semaphore_mem>>) src(%dma_wait3A_44 : memref<40x128xi32, #tpu.memory_space<hbm>>) dst(%arg8 : memref<40x128xi32, #tpu.memory_space<vmem>>)
      tpu.yield
    }) : () -> ()
    %dma_start3A_13 = arith.constant 0 : i32
    %dma_start3A_14 = arith.constant 0 : i32
    %dma_start3A_15 = tpu.memref_slice %arg7[%dma_start3A_13, %dma_start3A_14] : memref<40x128xi32, #tpu.memory_space<vmem>> -> memref<1x128xi32, #tpu.memory_space<vmem>>
    %dma_start3A_16 = tpu.memref_squeeze %dma_start3A_15 : memref<1x128xi32, #tpu.memory_space<vmem>> -> memref<128xi32, #tpu.memory_space<vmem>>
    %dma_start3A_17 = arith.constant 0 : i32
    %dma_start3A_18 = arith.constant 0 : i32
    %dma_start3A_19 = tpu.memref_slice %arg2[%dma_start3A_17, %dma_start3A_18] : memref<10000x128xf32, #tpu.memory_space<hbm>> -> memref<10000x128xf32, #tpu.memory_space<hbm>>
    tpu.enqueue_indirect_dma source(%dma_start3A_19 : memref<10000x128xf32, #tpu.memory_space<hbm>>) target(%arg9 : memref<128x128xf32, #tpu.memory_space<vmem>>) offsets(%dma_start3A_16 : memref<128xi32, #tpu.memory_space<vmem>>) semaphore(%arg12 : memref<!tpu.dma_semaphore, #tpu.memory_space<semaphore_mem>>)
    %scan3A_20 = arith.constant 0 : i32
    %scan3A_21 = arith.constant 20 : i32
    %scan3A_22 = arith.addi %scan3A_20, %scan3A_21 : i32
    %scan3A_23 = arith.constant 1 : i32
    scf.for %scan3A_30 = %scan3A_20 to %scan3A_22 step %scan3A_23  : i32 {
      %mul3A_31 = arith.constant 2 : i32
      %mul3A_32 = arith.muli %scan3A_30, %mul3A_31 : i32
      %add3A_33 = arith.constant 0 : i32
      %add3A_34 = arith.addi %add3A_33, %mul3A_32 : i32
      %add3A_35 = arith.constant 1 : i32
      %add3A_36 = arith.addi %add3A_34, %add3A_35 : i32
      %dma_start3A_37 = arith.constant 0 : i32
      %dma_start3A_38 = tpu.memref_slice %arg7[%add3A_36, %dma_start3A_37] : memref<40x128xi32, #tpu.memory_space<vmem>> -> memref<1x128xi32, #tpu.memory_space<vmem>>
      %dma_start3A_39 = tpu.memref_squeeze %dma_start3A_38 : memref<1x128xi32, #tpu.memory_space<vmem>> -> memref<128xi32, #tpu.memory_space<vmem>>
      %dma_start3A_40 = arith.constant 0 : i32
      %dma_start3A_41 = arith.constant 0 : i32
      %dma_start3A_42 = tpu.memref_slice %arg2[%dma_start3A_40, %dma_start3A_41] : memref<10000x128xf32, #tpu.memory_space<hbm>> -> memref<10000x128xf32, #tpu.memory_space<hbm>>
      tpu.enqueue_indirect_dma source(%dma_start3A_42 : memref<10000x128xf32, #tpu.memory_space<hbm>>) target(%arg10 : memref<128x128xf32, #tpu.memory_space<vmem>>) offsets(%dma_start3A_39 : memref<128xi32, #tpu.memory_space<vmem>>) semaphore(%arg13 : memref<!tpu.dma_semaphore, #tpu.memory_space<semaphore_mem>>)
      %dma_wait3A = arith.constant 0 : i32
      %dma_wait3A_43 = tpu.memref_slice %arg7[%add3A_34, %dma_wait3A] : memref<40x128xi32, #tpu.memory_space<vmem>> -> memref<1x128xi32, #tpu.memory_space<vmem>>
      %dma_wait3A_44 = tpu.memref_squeeze %dma_wait3A_43 : memref<1x128xi32, #tpu.memory_space<vmem>> -> memref<128xi32, #tpu.memory_space<vmem>>
      %dma_wait3A_45 = arith.constant 0 : i32
      %dma_wait3A_46 = arith.constant 0 : i32
      %dma_wait3A_47 = tpu.memref_slice %arg2[%dma_wait3A_45, %dma_wait3A_46] : memref<10000x128xf32, #tpu.memory_space<hbm>> -> memref<10000x128xf32, #tpu.memory_space<hbm>>
      tpu.wait_indirect_dma semaphore(%arg12 : memref<!tpu.dma_semaphore, #tpu.memory_space<semaphore_mem>>) src(%dma_wait3A_47 : memref<10000x128xf32, #tpu.memory_space<hbm>>) dst(%arg9 : memref<128x128xf32, #tpu.memory_space<vmem>>)
      "tpu.region"() ({
        %run_scoped3A = tpu.sem_alloc : memref<!tpu.dma_semaphore, #tpu.memory_space<semaphore_mem>>
        %dma_start3A_62 = arith.constant 0 : i32
        %dma_start3A_63 = tpu.memref_slice %arg8[%add3A_34, %dma_start3A_62] : memref<40x128xi32, #tpu.memory_space<vmem>> -> memref<1x128xi32, #tpu.memory_space<vmem>>
        %dma_start3A_64 = tpu.memref_squeeze %dma_start3A_63 : memref<1x128xi32, #tpu.memory_space<vmem>> -> memref<128xi32, #tpu.memory_space<vmem>>
        %dma_start3A_65 = arith.constant 0 : i32
        %dma_start3A_66 = arith.constant 0 : i32
        %dma_start3A_67 = tpu.memref_slice %arg11[%dma_start3A_65, %dma_start3A_66] : memref<10240x128xf32, #tpu.memory_space<vmem_shared>> -> memref<10240x128xf32, #tpu.memory_space<vmem_shared>>
        tpu.enqueue_indirect_dma source(%arg9 : memref<128x128xf32, #tpu.memory_space<vmem>>) target(%dma_start3A_67 : memref<10240x128xf32, #tpu.memory_space<vmem_shared>>) offsets(%dma_start3A_64 : memref<128xi32, #tpu.memory_space<vmem>>) semaphore(%run_scoped3A : memref<!tpu.dma_semaphore, #tpu.memory_space<semaphore_mem>>) {add = true}
        %dma_wait3A_68 = arith.constant 0 : i32
        %dma_wait3A_69 = tpu.memref_slice %arg8[%add3A_34, %dma_wait3A_68] : memref<40x128xi32, #tpu.memory_space<vmem>> -> memref<1x128xi32, #tpu.memory_space<vmem>>
        %dma_wait3A_70 = tpu.memref_squeeze %dma_wait3A_69 : memref<1x128xi32, #tpu.memory_space<vmem>> -> memref<128xi32, #tpu.memory_space<vmem>>
        %dma_wait3A_71 = arith.constant 0 : i32
        %dma_wait3A_72 = arith.constant 0 : i32
        %dma_wait3A_73 = tpu.memref_slice %arg11[%dma_wait3A_71, %dma_wait3A_72] : memref<10240x128xf32, #tpu.memory_space<vmem_shared>> -> memref<10240x128xf32, #tpu.memory_space<vmem_shared>>
        tpu.wait_indirect_dma semaphore(%run_scoped3A : memref<!tpu.dma_semaphore, #tpu.memory_space<semaphore_mem>>) src(%arg9 : memref<128x128xf32, #tpu.memory_space<vmem>>) dst(%dma_wait3A_73 : memref<10240x128xf32, #tpu.memory_space<vmem_shared>>)
        tpu.yield
      }) : () -> ()
      %add3A_48 = arith.constant 2 : i32
      %add3A_49 = arith.addi %add3A_34, %add3A_48 : i32
      %lt3A = arith.constant 40 : i32
      %lt3A_50 = arith.cmpi slt, %add3A_49, %lt3A : i32
      %convert_element_type3A = arith.extui %lt3A_50 : i1 to i32
      %cond3A = arith.constant 0 : i32
      %cond3A_51 = arith.cmpi ne, %convert_element_type3A, %cond3A : i32
      scf.if %cond3A_51 {
        %add3A_62 = arith.constant 2 : i32
        %add3A_63 = arith.addi %add3A_34, %add3A_62 : i32
        %dma_start3A_64 = arith.constant 0 : i32
        %dma_start3A_65 = tpu.memref_slice %arg7[%add3A_63, %dma_start3A_64] : memref<40x128xi32, #tpu.memory_space<vmem>> -> memref<1x128xi32, #tpu.memory_space<vmem>>
        %dma_start3A_66 = tpu.memref_squeeze %dma_start3A_65 : memref<1x128xi32, #tpu.memory_space<vmem>> -> memref<128xi32, #tpu.memory_space<vmem>>
        %dma_start3A_67 = arith.constant 0 : i32
        %dma_start3A_68 = arith.constant 0 : i32
        %dma_start3A_69 = tpu.memref_slice %arg2[%dma_start3A_67, %dma_start3A_68] : memref<10000x128xf32, #tpu.memory_space<hbm>> -> memref<10000x128xf32, #tpu.memory_space<hbm>>
        tpu.enqueue_indirect_dma source(%dma_start3A_69 : memref<10000x128xf32, #tpu.memory_space<hbm>>) target(%arg9 : memref<128x128xf32, #tpu.memory_space<vmem>>) offsets(%dma_start3A_66 : memref<128xi32, #tpu.memory_space<vmem>>) semaphore(%arg12 : memref<!tpu.dma_semaphore, #tpu.memory_space<semaphore_mem>>)
      } else {
      }
      %add3A_52 = arith.constant 1 : i32
      %add3A_53 = arith.addi %add3A_34, %add3A_52 : i32
      %dma_wait3A_54 = arith.constant 0 : i32
      %dma_wait3A_55 = tpu.memref_slice %arg7[%add3A_53, %dma_wait3A_54] : memref<40x128xi32, #tpu.memory_space<vmem>> -> memref<1x128xi32, #tpu.memory_space<vmem>>
      %dma_wait3A_56 = tpu.memref_squeeze %dma_wait3A_55 : memref<1x128xi32, #tpu.memory_space<vmem>> -> memref<128xi32, #tpu.memory_space<vmem>>
      %dma_wait3A_57 = arith.constant 0 : i32
      %dma_wait3A_58 = arith.constant 0 : i32
      %dma_wait3A_59 = tpu.memref_slice %arg2[%dma_wait3A_57, %dma_wait3A_58] : memref<10000x128xf32, #tpu.memory_space<hbm>> -> memref<10000x128xf32, #tpu.memory_space<hbm>>
      tpu.wait_indirect_dma semaphore(%arg13 : memref<!tpu.dma_semaphore, #tpu.memory_space<semaphore_mem>>) src(%dma_wait3A_59 : memref<10000x128xf32, #tpu.memory_space<hbm>>) dst(%arg10 : memref<128x128xf32, #tpu.memory_space<vmem>>)
      %add3A_60 = arith.constant 1 : i32
      %add3A_61 = arith.addi %add3A_34, %add3A_60 : i32
      "tpu.region"() ({
        %run_scoped3A = tpu.sem_alloc : memref<!tpu.dma_semaphore, #tpu.memory_space<semaphore_mem>>
        %dma_start3A_62 = arith.constant 0 : i32
        %dma_start3A_63 = tpu.memref_slice %arg8[%add3A_61, %dma_start3A_62] : memref<40x128xi32, #tpu.memory_space<vmem>> -> memref<1x128xi32, #tpu.memory_space<vmem>>
        %dma_start3A_64 = tpu.memref_squeeze %dma_start3A_63 : memref<1x128xi32, #tpu.memory_space<vmem>> -> memref<128xi32, #tpu.memory_space<vmem>>
        %dma_start3A_65 = arith.constant 0 : i32
        %dma_start3A_66 = arith.constant 0 : i32
        %dma_start3A_67 = tpu.memref_slice %arg11[%dma_start3A_65, %dma_start3A_66] : memref<10240x128xf32, #tpu.memory_space<vmem_shared>> -> memref<10240x128xf32, #tpu.memory_space<vmem_shared>>
        tpu.enqueue_indirect_dma source(%arg10 : memref<128x128xf32, #tpu.memory_space<vmem>>) target(%dma_start3A_67 : memref<10240x128xf32, #tpu.memory_space<vmem_shared>>) offsets(%dma_start3A_64 : memref<128xi32, #tpu.memory_space<vmem>>) semaphore(%run_scoped3A : memref<!tpu.dma_semaphore, #tpu.memory_space<semaphore_mem>>) {add = true}
        %dma_wait3A_68 = arith.constant 0 : i32
        %dma_wait3A_69 = tpu.memref_slice %arg8[%add3A_61, %dma_wait3A_68] : memref<40x128xi32, #tpu.memory_space<vmem>> -> memref<1x128xi32, #tpu.memory_space<vmem>>
        %dma_wait3A_70 = tpu.memref_squeeze %dma_wait3A_69 : memref<1x128xi32, #tpu.memory_space<vmem>> -> memref<128xi32, #tpu.memory_space<vmem>>
        %dma_wait3A_71 = arith.constant 0 : i32
        %dma_wait3A_72 = arith.constant 0 : i32
        %dma_wait3A_73 = tpu.memref_slice %arg11[%dma_wait3A_71, %dma_wait3A_72] : memref<10240x128xf32, #tpu.memory_space<vmem_shared>> -> memref<10240x128xf32, #tpu.memory_space<vmem_shared>>
        tpu.wait_indirect_dma semaphore(%run_scoped3A : memref<!tpu.dma_semaphore, #tpu.memory_space<semaphore_mem>>) src(%arg10 : memref<128x128xf32, #tpu.memory_space<vmem>>) dst(%dma_wait3A_73 : memref<10240x128xf32, #tpu.memory_space<vmem_shared>>)
        tpu.yield
      }) : () -> ()
    }
    %scan3A_24 = arith.constant 20 : i32
    %barrier3A_25 = arith.constant 0 : index
    tpu.barrier barrier_id(%barrier3A_25)
    %mul3A_26 = arith.constant 640 : i32
    %mul3A_27 = arith.muli %arg1, %mul3A_26 : i32
    %mul3A_28 = arith.constant 640 : i32
    %mul3A_29 = arith.muli %arg1, %mul3A_28 : i32
    "tpu.region"() ({
      %run_scoped3A = tpu.sem_alloc : memref<!tpu.dma_semaphore, #tpu.memory_space<semaphore_mem>>
      %dma_start3A_30 = arith.constant 0 : i32
      %dma_start3A_31 = tpu.memref_slice %arg6[%arg0, %mul3A_29, %dma_start3A_30] : memref<2x10240x128xf32, #tpu.memory_space<hbm>> -> memref<1x640x128xf32, #tpu.memory_space<hbm>>
      %dma_start3A_32 = tpu.memref_squeeze %dma_start3A_31 : memref<1x640x128xf32, #tpu.memory_space<hbm>> -> memref<640x128xf32, #tpu.memory_space<hbm>>
      %dma_start3A_33 = arith.constant 0 : i32
      %dma_start3A_34 = tpu.memref_slice %arg11[%mul3A_27, %dma_start3A_33] : memref<10240x128xf32, #tpu.memory_space<vmem_shared>> -> memref<640x128xf32, #tpu.memory_space<vmem_shared>>
      tpu.enqueue_dma source(%dma_start3A_34 : memref<640x128xf32, #tpu.memory_space<vmem_shared>>) target(%dma_start3A_32 : memref<640x128xf32, #tpu.memory_space<hbm>>) target_semaphore(%run_scoped3A : memref<!tpu.dma_semaphore, #tpu.memory_space<semaphore_mem>>)
      %dma_wait3A = arith.constant 0 : i32
      %dma_wait3A_35 = tpu.memref_slice %arg6[%arg0, %mul3A_29, %dma_wait3A] : memref<2x10240x128xf32, #tpu.memory_space<hbm>> -> memref<1x640x128xf32, #tpu.memory_space<hbm>>
      %dma_wait3A_36 = tpu.memref_squeeze %dma_wait3A_35 : memref<1x640x128xf32, #tpu.memory_space<hbm>> -> memref<640x128xf32, #tpu.memory_space<hbm>>
      %dma_wait3A_37 = arith.constant 0 : i32
      %dma_wait3A_38 = tpu.memref_slice %arg11[%mul3A_27, %dma_wait3A_37] : memref<10240x128xf32, #tpu.memory_space<vmem_shared>> -> memref<640x128xf32, #tpu.memory_space<vmem_shared>>
      tpu.wait_dma2 semaphore(%run_scoped3A : memref<!tpu.dma_semaphore, #tpu.memory_space<semaphore_mem>>) src(%dma_wait3A_38 : memref<640x128xf32, #tpu.memory_space<vmem_shared>>) dst(%dma_wait3A_36 : memref<640x128xf32, #tpu.memory_space<hbm>>)
      tpu.yield
    }) : () -> ()
    return
  }
}

#map = affine_map<(d0, d1) -> (0, 0)>
#map1 = affine_map<(d0, d1) -> (0, 0, 0)>
module attributes {stable_mosaic.version = 14 : i64} {
  func.func @_sc_agg_body(%arg0: i32, %arg1: i32, %arg2: memref<10000x128xf32, #tpu.memory_space<hbm>>, %arg3: memref<32x80x128xi32, #tpu.memory_space<hbm>>, %arg4: memref<32x80x128xi32, #tpu.memory_space<hbm>>, %arg5: memref<640x128xf32, #tpu.memory_space<hbm>>, %arg6: memref<2x10240x128xf32, #tpu.memory_space<hbm>>, %arg7: memref<40x128xi32, #tpu.memory_space<vmem>>, %arg8: memref<40x128xi32, #tpu.memory_space<vmem>>, %arg9: memref<128x128xf32, #tpu.memory_space<vmem>>, %arg10: memref<128x128xf32, #tpu.memory_space<vmem>>, %arg11: memref<10240x128xf32, #tpu.memory_space<vmem_shared>>, %arg12: memref<!tpu.dma_semaphore, #tpu.memory_space<semaphore_mem>>, %arg13: memref<!tpu.dma_semaphore, #tpu.memory_space<semaphore_mem>>) attributes {dimension_semantics = [#tpu.dimension_semantics<core_parallel>, #tpu.dimension_semantics<subcore_parallel>], iteration_bounds = array<i64: 2, 16>, scalar_prefetch = 0 : i64, scratch_operands = 7 : i64, tpu.core_type = #tpu.core_type<sc_vector_subcore>, window_params = [{transform_indices = #map}, {transform_indices = #map1}, {transform_indices = #map1}, {transform_indices = #map}, {transform_indices = #map1}]} {
    %mul3A = arith.constant 16 : i32
    %mul3A_0 = arith.muli %arg0, %mul3A : i32
    %add3A = arith.addi %mul3A_0, %arg1 : i32
    "tpu.region"() ({
      %run_scoped3A = tpu.sem_alloc : memref<!tpu.dma_semaphore, #tpu.memory_space<semaphore_mem>>
      %dma_start3A_30 = arith.constant 0 : i32
      %dma_start3A_31 = arith.constant 0 : i32
      %dma_start3A_32 = tpu.memref_slice %arg3[%add3A, %dma_start3A_30, %dma_start3A_31] : memref<32x80x128xi32, #tpu.memory_space<hbm>> -> memref<1x40x128xi32, #tpu.memory_space<hbm>>
      %dma_start3A_33 = tpu.memref_squeeze %dma_start3A_32 : memref<1x40x128xi32, #tpu.memory_space<hbm>> -> memref<40x128xi32, #tpu.memory_space<hbm>>
      %dma_start3A_34 = arith.constant 0 : i32
      %dma_start3A_35 = arith.constant 0 : i32
      %dma_start3A_36 = tpu.memref_slice %arg3[%add3A, %dma_start3A_34, %dma_start3A_35] : memref<32x80x128xi32, #tpu.memory_space<hbm>> -> memref<1x40x128xi32, #tpu.memory_space<hbm>>
      %dma_start3A_37 = tpu.memref_squeeze %dma_start3A_36 : memref<1x40x128xi32, #tpu.memory_space<hbm>> -> memref<40x128xi32, #tpu.memory_space<hbm>>
      tpu.enqueue_dma source(%dma_start3A_37 : memref<40x128xi32, #tpu.memory_space<hbm>>) target(%arg7 : memref<40x128xi32, #tpu.memory_space<vmem>>) target_semaphore(%run_scoped3A : memref<!tpu.dma_semaphore, #tpu.memory_space<semaphore_mem>>)
      %dma_wait3A = arith.constant 0 : i32
      %dma_wait3A_38 = arith.constant 0 : i32
      %dma_wait3A_39 = tpu.memref_slice %arg3[%add3A, %dma_wait3A, %dma_wait3A_38] : memref<32x80x128xi32, #tpu.memory_space<hbm>> -> memref<1x40x128xi32, #tpu.memory_space<hbm>>
      %dma_wait3A_40 = tpu.memref_squeeze %dma_wait3A_39 : memref<1x40x128xi32, #tpu.memory_space<hbm>> -> memref<40x128xi32, #tpu.memory_space<hbm>>
      %dma_wait3A_41 = arith.constant 0 : i32
      %dma_wait3A_42 = arith.constant 0 : i32
      %dma_wait3A_43 = tpu.memref_slice %arg3[%add3A, %dma_wait3A_41, %dma_wait3A_42] : memref<32x80x128xi32, #tpu.memory_space<hbm>> -> memref<1x40x128xi32, #tpu.memory_space<hbm>>
      %dma_wait3A_44 = tpu.memref_squeeze %dma_wait3A_43 : memref<1x40x128xi32, #tpu.memory_space<hbm>> -> memref<40x128xi32, #tpu.memory_space<hbm>>
      tpu.wait_dma2 semaphore(%run_scoped3A : memref<!tpu.dma_semaphore, #tpu.memory_space<semaphore_mem>>) src(%dma_wait3A_44 : memref<40x128xi32, #tpu.memory_space<hbm>>) dst(%arg7 : memref<40x128xi32, #tpu.memory_space<vmem>>)
      tpu.yield
    }) : () -> ()
    %dma_start3A = arith.constant 0 : i32
    %dma_start3A_1 = arith.constant 0 : i32
    %dma_start3A_2 = tpu.memref_slice %arg7[%dma_start3A, %dma_start3A_1] : memref<40x128xi32, #tpu.memory_space<vmem>> -> memref<1x128xi32, #tpu.memory_space<vmem>>
    %dma_start3A_3 = tpu.memref_squeeze %dma_start3A_2 : memref<1x128xi32, #tpu.memory_space<vmem>> -> memref<128xi32, #tpu.memory_space<vmem>>
    %dma_start3A_4 = arith.constant 0 : i32
    %dma_start3A_5 = arith.constant 0 : i32
    %dma_start3A_6 = tpu.memref_slice %arg2[%dma_start3A_4, %dma_start3A_5] : memref<10000x128xf32, #tpu.memory_space<hbm>> -> memref<10000x128xf32, #tpu.memory_space<hbm>>
    tpu.enqueue_indirect_dma source(%dma_start3A_6 : memref<10000x128xf32, #tpu.memory_space<hbm>>) target(%arg9 : memref<128x128xf32, #tpu.memory_space<vmem>>) offsets(%dma_start3A_3 : memref<128xi32, #tpu.memory_space<vmem>>) semaphore(%arg12 : memref<!tpu.dma_semaphore, #tpu.memory_space<semaphore_mem>>)
    "tpu.region"() ({
      %run_scoped3A = tpu.sem_alloc : memref<!tpu.dma_semaphore, #tpu.memory_space<semaphore_mem>>
      %dma_start3A_30 = arith.constant 0 : i32
      %dma_start3A_31 = arith.constant 0 : i32
      %dma_start3A_32 = tpu.memref_slice %arg4[%add3A, %dma_start3A_30, %dma_start3A_31] : memref<32x80x128xi32, #tpu.memory_space<hbm>> -> memref<1x40x128xi32, #tpu.memory_space<hbm>>
      %dma_start3A_33 = tpu.memref_squeeze %dma_start3A_32 : memref<1x40x128xi32, #tpu.memory_space<hbm>> -> memref<40x128xi32, #tpu.memory_space<hbm>>
      %dma_start3A_34 = arith.constant 0 : i32
      %dma_start3A_35 = arith.constant 0 : i32
      %dma_start3A_36 = tpu.memref_slice %arg4[%add3A, %dma_start3A_34, %dma_start3A_35] : memref<32x80x128xi32, #tpu.memory_space<hbm>> -> memref<1x40x128xi32, #tpu.memory_space<hbm>>
      %dma_start3A_37 = tpu.memref_squeeze %dma_start3A_36 : memref<1x40x128xi32, #tpu.memory_space<hbm>> -> memref<40x128xi32, #tpu.memory_space<hbm>>
      tpu.enqueue_dma source(%dma_start3A_37 : memref<40x128xi32, #tpu.memory_space<hbm>>) target(%arg8 : memref<40x128xi32, #tpu.memory_space<vmem>>) target_semaphore(%run_scoped3A : memref<!tpu.dma_semaphore, #tpu.memory_space<semaphore_mem>>)
      %dma_wait3A = arith.constant 0 : i32
      %dma_wait3A_38 = arith.constant 0 : i32
      %dma_wait3A_39 = tpu.memref_slice %arg4[%add3A, %dma_wait3A, %dma_wait3A_38] : memref<32x80x128xi32, #tpu.memory_space<hbm>> -> memref<1x40x128xi32, #tpu.memory_space<hbm>>
      %dma_wait3A_40 = tpu.memref_squeeze %dma_wait3A_39 : memref<1x40x128xi32, #tpu.memory_space<hbm>> -> memref<40x128xi32, #tpu.memory_space<hbm>>
      %dma_wait3A_41 = arith.constant 0 : i32
      %dma_wait3A_42 = arith.constant 0 : i32
      %dma_wait3A_43 = tpu.memref_slice %arg4[%add3A, %dma_wait3A_41, %dma_wait3A_42] : memref<32x80x128xi32, #tpu.memory_space<hbm>> -> memref<1x40x128xi32, #tpu.memory_space<hbm>>
      %dma_wait3A_44 = tpu.memref_squeeze %dma_wait3A_43 : memref<1x40x128xi32, #tpu.memory_space<hbm>> -> memref<40x128xi32, #tpu.memory_space<hbm>>
      tpu.wait_dma2 semaphore(%run_scoped3A : memref<!tpu.dma_semaphore, #tpu.memory_space<semaphore_mem>>) src(%dma_wait3A_44 : memref<40x128xi32, #tpu.memory_space<hbm>>) dst(%arg8 : memref<40x128xi32, #tpu.memory_space<vmem>>)
      tpu.yield
    }) : () -> ()
    %mul3A_7 = arith.constant 640 : i32
    %mul3A_8 = arith.muli %arg1, %mul3A_7 : i32
    "tpu.region"() ({
      %run_scoped3A = tpu.sem_alloc : memref<!tpu.dma_semaphore, #tpu.memory_space<semaphore_mem>>
      %dma_start3A_30 = arith.constant 0 : i32
      %dma_start3A_31 = tpu.memref_slice %arg11[%mul3A_8, %dma_start3A_30] : memref<10240x128xf32, #tpu.memory_space<vmem_shared>> -> memref<640x128xf32, #tpu.memory_space<vmem_shared>>
      tpu.enqueue_dma source(%arg5 : memref<640x128xf32, #tpu.memory_space<hbm>>) target(%dma_start3A_31 : memref<640x128xf32, #tpu.memory_space<vmem_shared>>) target_semaphore(%run_scoped3A : memref<!tpu.dma_semaphore, #tpu.memory_space<semaphore_mem>>)
      %dma_wait3A = arith.constant 0 : i32
      %dma_wait3A_32 = tpu.memref_slice %arg11[%mul3A_8, %dma_wait3A] : memref<10240x128xf32, #tpu.memory_space<vmem_shared>> -> memref<640x128xf32, #tpu.memory_space<vmem_shared>>
      tpu.wait_dma2 semaphore(%run_scoped3A : memref<!tpu.dma_semaphore, #tpu.memory_space<semaphore_mem>>) src(%arg5 : memref<640x128xf32, #tpu.memory_space<hbm>>) dst(%dma_wait3A_32 : memref<640x128xf32, #tpu.memory_space<vmem_shared>>)
      tpu.yield
    }) : () -> ()
    %barrier3A = arith.constant 0 : index
    tpu.barrier barrier_id(%barrier3A)
    %scan3A = arith.constant 0 : i32
    %scan3A_9 = arith.constant 20 : i32
    %scan3A_10 = arith.addi %scan3A, %scan3A_9 : i32
    %scan3A_11 = arith.constant 1 : i32
    scf.for %scan3A_30 = %scan3A to %scan3A_10 step %scan3A_11  : i32 {
      %mul3A_31 = arith.constant 2 : i32
      %mul3A_32 = arith.muli %scan3A_30, %mul3A_31 : i32
      %add3A_33 = arith.constant 0 : i32
      %add3A_34 = arith.addi %add3A_33, %mul3A_32 : i32
      %add3A_35 = arith.constant 1 : i32
      %add3A_36 = arith.addi %add3A_34, %add3A_35 : i32
      %dma_start3A_37 = arith.constant 0 : i32
      %dma_start3A_38 = tpu.memref_slice %arg7[%add3A_36, %dma_start3A_37] : memref<40x128xi32, #tpu.memory_space<vmem>> -> memref<1x128xi32, #tpu.memory_space<vmem>>
      %dma_start3A_39 = tpu.memref_squeeze %dma_start3A_38 : memref<1x128xi32, #tpu.memory_space<vmem>> -> memref<128xi32, #tpu.memory_space<vmem>>
      %dma_start3A_40 = arith.constant 0 : i32
      %dma_start3A_41 = arith.constant 0 : i32
      %dma_start3A_42 = tpu.memref_slice %arg2[%dma_start3A_40, %dma_start3A_41] : memref<10000x128xf32, #tpu.memory_space<hbm>> -> memref<10000x128xf32, #tpu.memory_space<hbm>>
      tpu.enqueue_indirect_dma source(%dma_start3A_42 : memref<10000x128xf32, #tpu.memory_space<hbm>>) target(%arg10 : memref<128x128xf32, #tpu.memory_space<vmem>>) offsets(%dma_start3A_39 : memref<128xi32, #tpu.memory_space<vmem>>) semaphore(%arg13 : memref<!tpu.dma_semaphore, #tpu.memory_space<semaphore_mem>>)
      %dma_wait3A = arith.constant 0 : i32
      %dma_wait3A_43 = tpu.memref_slice %arg7[%add3A_34, %dma_wait3A] : memref<40x128xi32, #tpu.memory_space<vmem>> -> memref<1x128xi32, #tpu.memory_space<vmem>>
      %dma_wait3A_44 = tpu.memref_squeeze %dma_wait3A_43 : memref<1x128xi32, #tpu.memory_space<vmem>> -> memref<128xi32, #tpu.memory_space<vmem>>
      %dma_wait3A_45 = arith.constant 0 : i32
      %dma_wait3A_46 = arith.constant 0 : i32
      %dma_wait3A_47 = tpu.memref_slice %arg2[%dma_wait3A_45, %dma_wait3A_46] : memref<10000x128xf32, #tpu.memory_space<hbm>> -> memref<10000x128xf32, #tpu.memory_space<hbm>>
      tpu.wait_indirect_dma semaphore(%arg12 : memref<!tpu.dma_semaphore, #tpu.memory_space<semaphore_mem>>) src(%dma_wait3A_47 : memref<10000x128xf32, #tpu.memory_space<hbm>>) dst(%arg9 : memref<128x128xf32, #tpu.memory_space<vmem>>)
      "tpu.region"() ({
        %run_scoped3A = tpu.sem_alloc : memref<!tpu.dma_semaphore, #tpu.memory_space<semaphore_mem>>
        %dma_start3A_62 = arith.constant 0 : i32
        %dma_start3A_63 = tpu.memref_slice %arg8[%add3A_34, %dma_start3A_62] : memref<40x128xi32, #tpu.memory_space<vmem>> -> memref<1x128xi32, #tpu.memory_space<vmem>>
        %dma_start3A_64 = tpu.memref_squeeze %dma_start3A_63 : memref<1x128xi32, #tpu.memory_space<vmem>> -> memref<128xi32, #tpu.memory_space<vmem>>
        %dma_start3A_65 = arith.constant 0 : i32
        %dma_start3A_66 = arith.constant 0 : i32
        %dma_start3A_67 = tpu.memref_slice %arg11[%dma_start3A_65, %dma_start3A_66] : memref<10240x128xf32, #tpu.memory_space<vmem_shared>> -> memref<10240x128xf32, #tpu.memory_space<vmem_shared>>
        tpu.enqueue_indirect_dma source(%arg9 : memref<128x128xf32, #tpu.memory_space<vmem>>) target(%dma_start3A_67 : memref<10240x128xf32, #tpu.memory_space<vmem_shared>>) offsets(%dma_start3A_64 : memref<128xi32, #tpu.memory_space<vmem>>) semaphore(%run_scoped3A : memref<!tpu.dma_semaphore, #tpu.memory_space<semaphore_mem>>) {add = true}
        %dma_wait3A_68 = arith.constant 0 : i32
        %dma_wait3A_69 = tpu.memref_slice %arg8[%add3A_34, %dma_wait3A_68] : memref<40x128xi32, #tpu.memory_space<vmem>> -> memref<1x128xi32, #tpu.memory_space<vmem>>
        %dma_wait3A_70 = tpu.memref_squeeze %dma_wait3A_69 : memref<1x128xi32, #tpu.memory_space<vmem>> -> memref<128xi32, #tpu.memory_space<vmem>>
        %dma_wait3A_71 = arith.constant 0 : i32
        %dma_wait3A_72 = arith.constant 0 : i32
        %dma_wait3A_73 = tpu.memref_slice %arg11[%dma_wait3A_71, %dma_wait3A_72] : memref<10240x128xf32, #tpu.memory_space<vmem_shared>> -> memref<10240x128xf32, #tpu.memory_space<vmem_shared>>
        tpu.wait_indirect_dma semaphore(%run_scoped3A : memref<!tpu.dma_semaphore, #tpu.memory_space<semaphore_mem>>) src(%arg9 : memref<128x128xf32, #tpu.memory_space<vmem>>) dst(%dma_wait3A_73 : memref<10240x128xf32, #tpu.memory_space<vmem_shared>>)
        tpu.yield
      }) : () -> ()
      %add3A_48 = arith.constant 2 : i32
      %add3A_49 = arith.addi %add3A_34, %add3A_48 : i32
      %lt3A = arith.constant 40 : i32
      %lt3A_50 = arith.cmpi slt, %add3A_49, %lt3A : i32
      %convert_element_type3A = arith.extui %lt3A_50 : i1 to i32
      %cond3A = arith.constant 0 : i32
      %cond3A_51 = arith.cmpi ne, %convert_element_type3A, %cond3A : i32
      scf.if %cond3A_51 {
        %add3A_62 = arith.constant 2 : i32
        %add3A_63 = arith.addi %add3A_34, %add3A_62 : i32
        %dma_start3A_64 = arith.constant 0 : i32
        %dma_start3A_65 = tpu.memref_slice %arg7[%add3A_63, %dma_start3A_64] : memref<40x128xi32, #tpu.memory_space<vmem>> -> memref<1x128xi32, #tpu.memory_space<vmem>>
        %dma_start3A_66 = tpu.memref_squeeze %dma_start3A_65 : memref<1x128xi32, #tpu.memory_space<vmem>> -> memref<128xi32, #tpu.memory_space<vmem>>
        %dma_start3A_67 = arith.constant 0 : i32
        %dma_start3A_68 = arith.constant 0 : i32
        %dma_start3A_69 = tpu.memref_slice %arg2[%dma_start3A_67, %dma_start3A_68] : memref<10000x128xf32, #tpu.memory_space<hbm>> -> memref<10000x128xf32, #tpu.memory_space<hbm>>
        tpu.enqueue_indirect_dma source(%dma_start3A_69 : memref<10000x128xf32, #tpu.memory_space<hbm>>) target(%arg9 : memref<128x128xf32, #tpu.memory_space<vmem>>) offsets(%dma_start3A_66 : memref<128xi32, #tpu.memory_space<vmem>>) semaphore(%arg12 : memref<!tpu.dma_semaphore, #tpu.memory_space<semaphore_mem>>)
      } else {
      }
      %add3A_52 = arith.constant 1 : i32
      %add3A_53 = arith.addi %add3A_34, %add3A_52 : i32
      %dma_wait3A_54 = arith.constant 0 : i32
      %dma_wait3A_55 = tpu.memref_slice %arg7[%add3A_53, %dma_wait3A_54] : memref<40x128xi32, #tpu.memory_space<vmem>> -> memref<1x128xi32, #tpu.memory_space<vmem>>
      %dma_wait3A_56 = tpu.memref_squeeze %dma_wait3A_55 : memref<1x128xi32, #tpu.memory_space<vmem>> -> memref<128xi32, #tpu.memory_space<vmem>>
      %dma_wait3A_57 = arith.constant 0 : i32
      %dma_wait3A_58 = arith.constant 0 : i32
      %dma_wait3A_59 = tpu.memref_slice %arg2[%dma_wait3A_57, %dma_wait3A_58] : memref<10000x128xf32, #tpu.memory_space<hbm>> -> memref<10000x128xf32, #tpu.memory_space<hbm>>
      tpu.wait_indirect_dma semaphore(%arg13 : memref<!tpu.dma_semaphore, #tpu.memory_space<semaphore_mem>>) src(%dma_wait3A_59 : memref<10000x128xf32, #tpu.memory_space<hbm>>) dst(%arg10 : memref<128x128xf32, #tpu.memory_space<vmem>>)
      %add3A_60 = arith.constant 1 : i32
      %add3A_61 = arith.addi %add3A_34, %add3A_60 : i32
      "tpu.region"() ({
        %run_scoped3A = tpu.sem_alloc : memref<!tpu.dma_semaphore, #tpu.memory_space<semaphore_mem>>
        %dma_start3A_62 = arith.constant 0 : i32
        %dma_start3A_63 = tpu.memref_slice %arg8[%add3A_61, %dma_start3A_62] : memref<40x128xi32, #tpu.memory_space<vmem>> -> memref<1x128xi32, #tpu.memory_space<vmem>>
        %dma_start3A_64 = tpu.memref_squeeze %dma_start3A_63 : memref<1x128xi32, #tpu.memory_space<vmem>> -> memref<128xi32, #tpu.memory_space<vmem>>
        %dma_start3A_65 = arith.constant 0 : i32
        %dma_start3A_66 = arith.constant 0 : i32
        %dma_start3A_67 = tpu.memref_slice %arg11[%dma_start3A_65, %dma_start3A_66] : memref<10240x128xf32, #tpu.memory_space<vmem_shared>> -> memref<10240x128xf32, #tpu.memory_space<vmem_shared>>
        tpu.enqueue_indirect_dma source(%arg10 : memref<128x128xf32, #tpu.memory_space<vmem>>) target(%dma_start3A_67 : memref<10240x128xf32, #tpu.memory_space<vmem_shared>>) offsets(%dma_start3A_64 : memref<128xi32, #tpu.memory_space<vmem>>) semaphore(%run_scoped3A : memref<!tpu.dma_semaphore, #tpu.memory_space<semaphore_mem>>) {add = true}
        %dma_wait3A_68 = arith.constant 0 : i32
        %dma_wait3A_69 = tpu.memref_slice %arg8[%add3A_61, %dma_wait3A_68] : memref<40x128xi32, #tpu.memory_space<vmem>> -> memref<1x128xi32, #tpu.memory_space<vmem>>
        %dma_wait3A_70 = tpu.memref_squeeze %dma_wait3A_69 : memref<1x128xi32, #tpu.memory_space<vmem>> -> memref<128xi32, #tpu.memory_space<vmem>>
        %dma_wait3A_71 = arith.constant 0 : i32
        %dma_wait3A_72 = arith.constant 0 : i32
        %dma_wait3A_73 = tpu.memref_slice %arg11[%dma_wait3A_71, %dma_wait3A_72] : memref<10240x128xf32, #tpu.memory_space<vmem_shared>> -> memref<10240x128xf32, #tpu.memory_space<vmem_shared>>
        tpu.wait_indirect_dma semaphore(%run_scoped3A : memref<!tpu.dma_semaphore, #tpu.memory_space<semaphore_mem>>) src(%arg10 : memref<128x128xf32, #tpu.memory_space<vmem>>) dst(%dma_wait3A_73 : memref<10240x128xf32, #tpu.memory_space<vmem_shared>>)
        tpu.yield
      }) : () -> ()
    }
    %scan3A_12 = arith.constant 20 : i32
    "tpu.region"() ({
      %run_scoped3A = tpu.sem_alloc : memref<!tpu.dma_semaphore, #tpu.memory_space<semaphore_mem>>
      %dma_start3A_30 = arith.constant 40 : i32
      %dma_start3A_31 = arith.constant 0 : i32
      %dma_start3A_32 = tpu.memref_slice %arg3[%add3A, %dma_start3A_30, %dma_start3A_31] : memref<32x80x128xi32, #tpu.memory_space<hbm>> -> memref<1x40x128xi32, #tpu.memory_space<hbm>>
      %dma_start3A_33 = tpu.memref_squeeze %dma_start3A_32 : memref<1x40x128xi32, #tpu.memory_space<hbm>> -> memref<40x128xi32, #tpu.memory_space<hbm>>
      %dma_start3A_34 = arith.constant 40 : i32
      %dma_start3A_35 = arith.constant 0 : i32
      %dma_start3A_36 = tpu.memref_slice %arg3[%add3A, %dma_start3A_34, %dma_start3A_35] : memref<32x80x128xi32, #tpu.memory_space<hbm>> -> memref<1x40x128xi32, #tpu.memory_space<hbm>>
      %dma_start3A_37 = tpu.memref_squeeze %dma_start3A_36 : memref<1x40x128xi32, #tpu.memory_space<hbm>> -> memref<40x128xi32, #tpu.memory_space<hbm>>
      tpu.enqueue_dma source(%dma_start3A_37 : memref<40x128xi32, #tpu.memory_space<hbm>>) target(%arg7 : memref<40x128xi32, #tpu.memory_space<vmem>>) target_semaphore(%run_scoped3A : memref<!tpu.dma_semaphore, #tpu.memory_space<semaphore_mem>>)
      %dma_wait3A = arith.constant 40 : i32
      %dma_wait3A_38 = arith.constant 0 : i32
      %dma_wait3A_39 = tpu.memref_slice %arg3[%add3A, %dma_wait3A, %dma_wait3A_38] : memref<32x80x128xi32, #tpu.memory_space<hbm>> -> memref<1x40x128xi32, #tpu.memory_space<hbm>>
      %dma_wait3A_40 = tpu.memref_squeeze %dma_wait3A_39 : memref<1x40x128xi32, #tpu.memory_space<hbm>> -> memref<40x128xi32, #tpu.memory_space<hbm>>
      %dma_wait3A_41 = arith.constant 40 : i32
      %dma_wait3A_42 = arith.constant 0 : i32
      %dma_wait3A_43 = tpu.memref_slice %arg3[%add3A, %dma_wait3A_41, %dma_wait3A_42] : memref<32x80x128xi32, #tpu.memory_space<hbm>> -> memref<1x40x128xi32, #tpu.memory_space<hbm>>
      %dma_wait3A_44 = tpu.memref_squeeze %dma_wait3A_43 : memref<1x40x128xi32, #tpu.memory_space<hbm>> -> memref<40x128xi32, #tpu.memory_space<hbm>>
      tpu.wait_dma2 semaphore(%run_scoped3A : memref<!tpu.dma_semaphore, #tpu.memory_space<semaphore_mem>>) src(%dma_wait3A_44 : memref<40x128xi32, #tpu.memory_space<hbm>>) dst(%arg7 : memref<40x128xi32, #tpu.memory_space<vmem>>)
      tpu.yield
    }) : () -> ()
    "tpu.region"() ({
      %run_scoped3A = tpu.sem_alloc : memref<!tpu.dma_semaphore, #tpu.memory_space<semaphore_mem>>
      %dma_start3A_30 = arith.constant 40 : i32
      %dma_start3A_31 = arith.constant 0 : i32
      %dma_start3A_32 = tpu.memref_slice %arg4[%add3A, %dma_start3A_30, %dma_start3A_31] : memref<32x80x128xi32, #tpu.memory_space<hbm>> -> memref<1x40x128xi32, #tpu.memory_space<hbm>>
      %dma_start3A_33 = tpu.memref_squeeze %dma_start3A_32 : memref<1x40x128xi32, #tpu.memory_space<hbm>> -> memref<40x128xi32, #tpu.memory_space<hbm>>
      %dma_start3A_34 = arith.constant 40 : i32
      %dma_start3A_35 = arith.constant 0 : i32
      %dma_start3A_36 = tpu.memref_slice %arg4[%add3A, %dma_start3A_34, %dma_start3A_35] : memref<32x80x128xi32, #tpu.memory_space<hbm>> -> memref<1x40x128xi32, #tpu.memory_space<hbm>>
      %dma_start3A_37 = tpu.memref_squeeze %dma_start3A_36 : memref<1x40x128xi32, #tpu.memory_space<hbm>> -> memref<40x128xi32, #tpu.memory_space<hbm>>
      tpu.enqueue_dma source(%dma_start3A_37 : memref<40x128xi32, #tpu.memory_space<hbm>>) target(%arg8 : memref<40x128xi32, #tpu.memory_space<vmem>>) target_semaphore(%run_scoped3A : memref<!tpu.dma_semaphore, #tpu.memory_space<semaphore_mem>>)
      %dma_wait3A = arith.constant 40 : i32
      %dma_wait3A_38 = arith.constant 0 : i32
      %dma_wait3A_39 = tpu.memref_slice %arg4[%add3A, %dma_wait3A, %dma_wait3A_38] : memref<32x80x128xi32, #tpu.memory_space<hbm>> -> memref<1x40x128xi32, #tpu.memory_space<hbm>>
      %dma_wait3A_40 = tpu.memref_squeeze %dma_wait3A_39 : memref<1x40x128xi32, #tpu.memory_space<hbm>> -> memref<40x128xi32, #tpu.memory_space<hbm>>
      %dma_wait3A_41 = arith.constant 40 : i32
      %dma_wait3A_42 = arith.constant 0 : i32
      %dma_wait3A_43 = tpu.memref_slice %arg4[%add3A, %dma_wait3A_41, %dma_wait3A_42] : memref<32x80x128xi32, #tpu.memory_space<hbm>> -> memref<1x40x128xi32, #tpu.memory_space<hbm>>
      %dma_wait3A_44 = tpu.memref_squeeze %dma_wait3A_43 : memref<1x40x128xi32, #tpu.memory_space<hbm>> -> memref<40x128xi32, #tpu.memory_space<hbm>>
      tpu.wait_dma2 semaphore(%run_scoped3A : memref<!tpu.dma_semaphore, #tpu.memory_space<semaphore_mem>>) src(%dma_wait3A_44 : memref<40x128xi32, #tpu.memory_space<hbm>>) dst(%arg8 : memref<40x128xi32, #tpu.memory_space<vmem>>)
      tpu.yield
    }) : () -> ()
    %dma_start3A_13 = arith.constant 0 : i32
    %dma_start3A_14 = arith.constant 0 : i32
    %dma_start3A_15 = tpu.memref_slice %arg7[%dma_start3A_13, %dma_start3A_14] : memref<40x128xi32, #tpu.memory_space<vmem>> -> memref<1x128xi32, #tpu.memory_space<vmem>>
    %dma_start3A_16 = tpu.memref_squeeze %dma_start3A_15 : memref<1x128xi32, #tpu.memory_space<vmem>> -> memref<128xi32, #tpu.memory_space<vmem>>
    %dma_start3A_17 = arith.constant 0 : i32
    %dma_start3A_18 = arith.constant 0 : i32
    %dma_start3A_19 = tpu.memref_slice %arg2[%dma_start3A_17, %dma_start3A_18] : memref<10000x128xf32, #tpu.memory_space<hbm>> -> memref<10000x128xf32, #tpu.memory_space<hbm>>
    tpu.enqueue_indirect_dma source(%dma_start3A_19 : memref<10000x128xf32, #tpu.memory_space<hbm>>) target(%arg9 : memref<128x128xf32, #tpu.memory_space<vmem>>) offsets(%dma_start3A_16 : memref<128xi32, #tpu.memory_space<vmem>>) semaphore(%arg12 : memref<!tpu.dma_semaphore, #tpu.memory_space<semaphore_mem>>)
    %scan3A_20 = arith.constant 0 : i32
    %scan3A_21 = arith.constant 20 : i32
    %scan3A_22 = arith.addi %scan3A_20, %scan3A_21 : i32
    %scan3A_23 = arith.constant 1 : i32
    scf.for %scan3A_30 = %scan3A_20 to %scan3A_22 step %scan3A_23  : i32 {
      %mul3A_31 = arith.constant 2 : i32
      %mul3A_32 = arith.muli %scan3A_30, %mul3A_31 : i32
      %add3A_33 = arith.constant 0 : i32
      %add3A_34 = arith.addi %add3A_33, %mul3A_32 : i32
      %add3A_35 = arith.constant 1 : i32
      %add3A_36 = arith.addi %add3A_34, %add3A_35 : i32
      %dma_start3A_37 = arith.constant 0 : i32
      %dma_start3A_38 = tpu.memref_slice %arg7[%add3A_36, %dma_start3A_37] : memref<40x128xi32, #tpu.memory_space<vmem>> -> memref<1x128xi32, #tpu.memory_space<vmem>>
      %dma_start3A_39 = tpu.memref_squeeze %dma_start3A_38 : memref<1x128xi32, #tpu.memory_space<vmem>> -> memref<128xi32, #tpu.memory_space<vmem>>
      %dma_start3A_40 = arith.constant 0 : i32
      %dma_start3A_41 = arith.constant 0 : i32
      %dma_start3A_42 = tpu.memref_slice %arg2[%dma_start3A_40, %dma_start3A_41] : memref<10000x128xf32, #tpu.memory_space<hbm>> -> memref<10000x128xf32, #tpu.memory_space<hbm>>
      tpu.enqueue_indirect_dma source(%dma_start3A_42 : memref<10000x128xf32, #tpu.memory_space<hbm>>) target(%arg10 : memref<128x128xf32, #tpu.memory_space<vmem>>) offsets(%dma_start3A_39 : memref<128xi32, #tpu.memory_space<vmem>>) semaphore(%arg13 : memref<!tpu.dma_semaphore, #tpu.memory_space<semaphore_mem>>)
      %dma_wait3A = arith.constant 0 : i32
      %dma_wait3A_43 = tpu.memref_slice %arg7[%add3A_34, %dma_wait3A] : memref<40x128xi32, #tpu.memory_space<vmem>> -> memref<1x128xi32, #tpu.memory_space<vmem>>
      %dma_wait3A_44 = tpu.memref_squeeze %dma_wait3A_43 : memref<1x128xi32, #tpu.memory_space<vmem>> -> memref<128xi32, #tpu.memory_space<vmem>>
      %dma_wait3A_45 = arith.constant 0 : i32
      %dma_wait3A_46 = arith.constant 0 : i32
      %dma_wait3A_47 = tpu.memref_slice %arg2[%dma_wait3A_45, %dma_wait3A_46] : memref<10000x128xf32, #tpu.memory_space<hbm>> -> memref<10000x128xf32, #tpu.memory_space<hbm>>
      tpu.wait_indirect_dma semaphore(%arg12 : memref<!tpu.dma_semaphore, #tpu.memory_space<semaphore_mem>>) src(%dma_wait3A_47 : memref<10000x128xf32, #tpu.memory_space<hbm>>) dst(%arg9 : memref<128x128xf32, #tpu.memory_space<vmem>>)
      "tpu.region"() ({
        %run_scoped3A = tpu.sem_alloc : memref<!tpu.dma_semaphore, #tpu.memory_space<semaphore_mem>>
        %dma_start3A_62 = arith.constant 0 : i32
        %dma_start3A_63 = tpu.memref_slice %arg8[%add3A_34, %dma_start3A_62] : memref<40x128xi32, #tpu.memory_space<vmem>> -> memref<1x128xi32, #tpu.memory_space<vmem>>
        %dma_start3A_64 = tpu.memref_squeeze %dma_start3A_63 : memref<1x128xi32, #tpu.memory_space<vmem>> -> memref<128xi32, #tpu.memory_space<vmem>>
        %dma_start3A_65 = arith.constant 0 : i32
        %dma_start3A_66 = arith.constant 0 : i32
        %dma_start3A_67 = tpu.memref_slice %arg11[%dma_start3A_65, %dma_start3A_66] : memref<10240x128xf32, #tpu.memory_space<vmem_shared>> -> memref<10240x128xf32, #tpu.memory_space<vmem_shared>>
        tpu.enqueue_indirect_dma source(%arg9 : memref<128x128xf32, #tpu.memory_space<vmem>>) target(%dma_start3A_67 : memref<10240x128xf32, #tpu.memory_space<vmem_shared>>) offsets(%dma_start3A_64 : memref<128xi32, #tpu.memory_space<vmem>>) semaphore(%run_scoped3A : memref<!tpu.dma_semaphore, #tpu.memory_space<semaphore_mem>>) {add = true}
        %dma_wait3A_68 = arith.constant 0 : i32
        %dma_wait3A_69 = tpu.memref_slice %arg8[%add3A_34, %dma_wait3A_68] : memref<40x128xi32, #tpu.memory_space<vmem>> -> memref<1x128xi32, #tpu.memory_space<vmem>>
        %dma_wait3A_70 = tpu.memref_squeeze %dma_wait3A_69 : memref<1x128xi32, #tpu.memory_space<vmem>> -> memref<128xi32, #tpu.memory_space<vmem>>
        %dma_wait3A_71 = arith.constant 0 : i32
        %dma_wait3A_72 = arith.constant 0 : i32
        %dma_wait3A_73 = tpu.memref_slice %arg11[%dma_wait3A_71, %dma_wait3A_72] : memref<10240x128xf32, #tpu.memory_space<vmem_shared>> -> memref<10240x128xf32, #tpu.memory_space<vmem_shared>>
        tpu.wait_indirect_dma semaphore(%run_scoped3A : memref<!tpu.dma_semaphore, #tpu.memory_space<semaphore_mem>>) src(%arg9 : memref<128x128xf32, #tpu.memory_space<vmem>>) dst(%dma_wait3A_73 : memref<10240x128xf32, #tpu.memory_space<vmem_shared>>)
        tpu.yield
      }) : () -> ()
      %add3A_48 = arith.constant 2 : i32
      %add3A_49 = arith.addi %add3A_34, %add3A_48 : i32
      %lt3A = arith.constant 40 : i32
      %lt3A_50 = arith.cmpi slt, %add3A_49, %lt3A : i32
      %convert_element_type3A = arith.extui %lt3A_50 : i1 to i32
      %cond3A = arith.constant 0 : i32
      %cond3A_51 = arith.cmpi ne, %convert_element_type3A, %cond3A : i32
      scf.if %cond3A_51 {
        %add3A_62 = arith.constant 2 : i32
        %add3A_63 = arith.addi %add3A_34, %add3A_62 : i32
        %dma_start3A_64 = arith.constant 0 : i32
        %dma_start3A_65 = tpu.memref_slice %arg7[%add3A_63, %dma_start3A_64] : memref<40x128xi32, #tpu.memory_space<vmem>> -> memref<1x128xi32, #tpu.memory_space<vmem>>
        %dma_start3A_66 = tpu.memref_squeeze %dma_start3A_65 : memref<1x128xi32, #tpu.memory_space<vmem>> -> memref<128xi32, #tpu.memory_space<vmem>>
        %dma_start3A_67 = arith.constant 0 : i32
        %dma_start3A_68 = arith.constant 0 : i32
        %dma_start3A_69 = tpu.memref_slice %arg2[%dma_start3A_67, %dma_start3A_68] : memref<10000x128xf32, #tpu.memory_space<hbm>> -> memref<10000x128xf32, #tpu.memory_space<hbm>>
        tpu.enqueue_indirect_dma source(%dma_start3A_69 : memref<10000x128xf32, #tpu.memory_space<hbm>>) target(%arg9 : memref<128x128xf32, #tpu.memory_space<vmem>>) offsets(%dma_start3A_66 : memref<128xi32, #tpu.memory_space<vmem>>) semaphore(%arg12 : memref<!tpu.dma_semaphore, #tpu.memory_space<semaphore_mem>>)
      } else {
      }
      %add3A_52 = arith.constant 1 : i32
      %add3A_53 = arith.addi %add3A_34, %add3A_52 : i32
      %dma_wait3A_54 = arith.constant 0 : i32
      %dma_wait3A_55 = tpu.memref_slice %arg7[%add3A_53, %dma_wait3A_54] : memref<40x128xi32, #tpu.memory_space<vmem>> -> memref<1x128xi32, #tpu.memory_space<vmem>>
      %dma_wait3A_56 = tpu.memref_squeeze %dma_wait3A_55 : memref<1x128xi32, #tpu.memory_space<vmem>> -> memref<128xi32, #tpu.memory_space<vmem>>
      %dma_wait3A_57 = arith.constant 0 : i32
      %dma_wait3A_58 = arith.constant 0 : i32
      %dma_wait3A_59 = tpu.memref_slice %arg2[%dma_wait3A_57, %dma_wait3A_58] : memref<10000x128xf32, #tpu.memory_space<hbm>> -> memref<10000x128xf32, #tpu.memory_space<hbm>>
      tpu.wait_indirect_dma semaphore(%arg13 : memref<!tpu.dma_semaphore, #tpu.memory_space<semaphore_mem>>) src(%dma_wait3A_59 : memref<10000x128xf32, #tpu.memory_space<hbm>>) dst(%arg10 : memref<128x128xf32, #tpu.memory_space<vmem>>)
      %add3A_60 = arith.constant 1 : i32
      %add3A_61 = arith.addi %add3A_34, %add3A_60 : i32
      "tpu.region"() ({
        %run_scoped3A = tpu.sem_alloc : memref<!tpu.dma_semaphore, #tpu.memory_space<semaphore_mem>>
        %dma_start3A_62 = arith.constant 0 : i32
        %dma_start3A_63 = tpu.memref_slice %arg8[%add3A_61, %dma_start3A_62] : memref<40x128xi32, #tpu.memory_space<vmem>> -> memref<1x128xi32, #tpu.memory_space<vmem>>
        %dma_start3A_64 = tpu.memref_squeeze %dma_start3A_63 : memref<1x128xi32, #tpu.memory_space<vmem>> -> memref<128xi32, #tpu.memory_space<vmem>>
        %dma_start3A_65 = arith.constant 0 : i32
        %dma_start3A_66 = arith.constant 0 : i32
        %dma_start3A_67 = tpu.memref_slice %arg11[%dma_start3A_65, %dma_start3A_66] : memref<10240x128xf32, #tpu.memory_space<vmem_shared>> -> memref<10240x128xf32, #tpu.memory_space<vmem_shared>>
        tpu.enqueue_indirect_dma source(%arg10 : memref<128x128xf32, #tpu.memory_space<vmem>>) target(%dma_start3A_67 : memref<10240x128xf32, #tpu.memory_space<vmem_shared>>) offsets(%dma_start3A_64 : memref<128xi32, #tpu.memory_space<vmem>>) semaphore(%run_scoped3A : memref<!tpu.dma_semaphore, #tpu.memory_space<semaphore_mem>>) {add = true}
        %dma_wait3A_68 = arith.constant 0 : i32
        %dma_wait3A_69 = tpu.memref_slice %arg8[%add3A_61, %dma_wait3A_68] : memref<40x128xi32, #tpu.memory_space<vmem>> -> memref<1x128xi32, #tpu.memory_space<vmem>>
        %dma_wait3A_70 = tpu.memref_squeeze %dma_wait3A_69 : memref<1x128xi32, #tpu.memory_space<vmem>> -> memref<128xi32, #tpu.memory_space<vmem>>
        %dma_wait3A_71 = arith.constant 0 : i32
        %dma_wait3A_72 = arith.constant 0 : i32
        %dma_wait3A_73 = tpu.memref_slice %arg11[%dma_wait3A_71, %dma_wait3A_72] : memref<10240x128xf32, #tpu.memory_space<vmem_shared>> -> memref<10240x128xf32, #tpu.memory_space<vmem_shared>>
        tpu.wait_indirect_dma semaphore(%run_scoped3A : memref<!tpu.dma_semaphore, #tpu.memory_space<semaphore_mem>>) src(%arg10 : memref<128x128xf32, #tpu.memory_space<vmem>>) dst(%dma_wait3A_73 : memref<10240x128xf32, #tpu.memory_space<vmem_shared>>)
        tpu.yield
      }) : () -> ()
    }
    %scan3A_24 = arith.constant 20 : i32
    %barrier3A_25 = arith.constant 0 : index
    tpu.barrier barrier_id(%barrier3A_25)
    %mul3A_26 = arith.constant 640 : i32
    %mul3A_27 = arith.muli %arg1, %mul3A_26 : i32
    %mul3A_28 = arith.constant 640 : i32
    %mul3A_29 = arith.muli %arg1, %mul3A_28 : i32
    "tpu.region"() ({
      %run_scoped3A = tpu.sem_alloc : memref<!tpu.dma_semaphore, #tpu.memory_space<semaphore_mem>>
      %dma_start3A_30 = arith.constant 0 : i32
      %dma_start3A_31 = tpu.memref_slice %arg6[%arg0, %mul3A_29, %dma_start3A_30] : memref<2x10240x128xf32, #tpu.memory_space<hbm>> -> memref<1x640x128xf32, #tpu.memory_space<hbm>>
      %dma_start3A_32 = tpu.memref_squeeze %dma_start3A_31 : memref<1x640x128xf32, #tpu.memory_space<hbm>> -> memref<640x128xf32, #tpu.memory_space<hbm>>
      %dma_start3A_33 = arith.constant 0 : i32
      %dma_start3A_34 = tpu.memref_slice %arg11[%mul3A_27, %dma_start3A_33] : memref<10240x128xf32, #tpu.memory_space<vmem_shared>> -> memref<640x128xf32, #tpu.memory_space<vmem_shared>>
      tpu.enqueue_dma source(%dma_start3A_34 : memref<640x128xf32, #tpu.memory_space<vmem_shared>>) target(%dma_start3A_32 : memref<640x128xf32, #tpu.memory_space<hbm>>) target_semaphore(%run_scoped3A : memref<!tpu.dma_semaphore, #tpu.memory_space<semaphore_mem>>)
      %dma_wait3A = arith.constant 0 : i32
      %dma_wait3A_35 = tpu.memref_slice %arg6[%arg0, %mul3A_29, %dma_wait3A] : memref<2x10240x128xf32, #tpu.memory_space<hbm>> -> memref<1x640x128xf32, #tpu.memory_space<hbm>>
      %dma_wait3A_36 = tpu.memref_squeeze %dma_wait3A_35 : memref<1x640x128xf32, #tpu.memory_space<hbm>> -> memref<640x128xf32, #tpu.memory_space<hbm>>
      %dma_wait3A_37 = arith.constant 0 : i32
      %dma_wait3A_38 = tpu.memref_slice %arg11[%mul3A_27, %dma_wait3A_37] : memref<10240x128xf32, #tpu.memory_space<vmem_shared>> -> memref<640x128xf32, #tpu.memory_space<vmem_shared>>
      tpu.wait_dma2 semaphore(%run_scoped3A : memref<!tpu.dma_semaphore, #tpu.memory_space<semaphore_mem>>) src(%dma_wait3A_38 : memref<640x128xf32, #tpu.memory_space<vmem_shared>>) dst(%dma_wait3A_36 : memref<640x128xf32, #tpu.memory_space<hbm>>)
      tpu.yield
    }) : () -> ()
    return
  }
}

module attributes {stable_mosaic.version = 14 : i64} {
  func.func @_mm_bias_body(%arg0: i32, %arg1: memref<10000x128xf32, #tpu.memory_space<vmem>>, %arg2: memref<128x128xf32, #tpu.memory_space<vmem>>, %arg3: memref<1x128xf32, #tpu.memory_space<vmem>>, %arg4: memref<10000x128xf32, #tpu.memory_space<vmem>>) attributes {dimension_semantics = [#tpu.dimension_semantics<arbitrary>], iteration_bounds = array<i64: 1>, scalar_prefetch = 0 : i64, scratch_operands = 0 : i64, tpu.core_type = #tpu.core_type<tc>, window_params = [{transform_indices = @transform_0, window_bounds = array<i64: 10000, 128>}, {pipeline_mode = #tpu.pipeline_mode<synchronous>, transform_indices = @transform_1, window_bounds = array<i64: 128, 128>}, {pipeline_mode = #tpu.pipeline_mode<synchronous>, transform_indices = @transform_2, window_bounds = array<i64: 1, 128>}, {transform_indices = @transform_3, window_bounds = array<i64: 10000, 128>}]} {
    %get3A = arith.constant 0 : index
    %get3A_0 = arith.constant 0 : index
    %get3A_1 = vector.load %arg1[%get3A, %get3A_0] : memref<10000x128xf32, #tpu.memory_space<vmem>>, vector<10000x128xf32>
    %get3A_2 = arith.constant 0 : index
    %get3A_3 = arith.constant 0 : index
    %get3A_4 = vector.load %arg2[%get3A_2, %get3A_3] : memref<128x128xf32, #tpu.memory_space<vmem>>, vector<128x128xf32>
    %dot_general3A = arith.constant dense<0.000000e+00> : vector<10000x128xf32>
    %dot_general3A_5 = tpu.matmul %get3A_1, %get3A_4, %dot_general3A {dimension_numbers = #tpu.dot_dimension_numbers<[1], [1], [0], [0], [0, 0, 1, 0], [], []>, transpose_lhs_hint = false} : vector<10000x128xf32>, vector<128x128xf32>, vector<10000x128xf32> -> vector<10000x128xf32>
    %get3A_6 = arith.constant 0 : index
    %get3A_7 = arith.constant 0 : index
    %get3A_8 = vector.load %arg3[%get3A_6, %get3A_7] : memref<1x128xf32, #tpu.memory_space<vmem>>, vector<1x128xf32>
    %add3A = vector.broadcast %get3A_8 : vector<1x128xf32> to vector<10000x128xf32>
    %add3A_9 = arith.addf %dot_general3A_5, %add3A : vector<10000x128xf32>
    %swap3A = arith.constant 0 : index
    %swap3A_10 = arith.constant 0 : index
    %swap3A_11 = vector.load %arg4[%swap3A, %swap3A_10] : memref<10000x128xf32, #tpu.memory_space<vmem>>, vector<10000x128xf32>
    tpu.vector_store %arg4[%swap3A, %swap3A_10], %add3A_9 {strides = array<i32>} : memref<10000x128xf32, #tpu.memory_space<vmem>>, vector<10000x128xf32>,
    return
  }
  func.func @transform_0(%arg0: i32) -> (i32, i32) {
    %c0_i32 = arith.constant 0 : i32
    %c0_i32_0 = arith.constant 0 : i32
    return %arg0, %c0_i32 : i32, i32
  }
  func.func @transform_1(%arg0: i32) -> (i32, i32) {
    %c0_i32 = arith.constant 0 : i32
    %c0_i32_0 = arith.constant 0 : i32
    %c0_i32_1 = arith.constant 0 : i32
    return %c0_i32, %c0_i32_0 : i32, i32
  }
  func.func @transform_2(%arg0: i32) -> (i32, i32) {
    %c0_i32 = arith.constant 0 : i32
    %c0_i32_0 = arith.constant 0 : i32
    %c0_i32_1 = arith.constant 0 : i32
    return %c0_i32, %c0_i32_0 : i32, i32
  }
  func.func @transform_3(%arg0: i32) -> (i32, i32) {
    %c0_i32 = arith.constant 0 : i32
    %c0_i32_0 = arith.constant 0 : i32
    return %arg0, %c0_i32 : i32, i32
  }
}

module attributes {stable_mosaic.version = 14 : i64} {
  func.func @_agg_mm_body(%arg0: i32, %arg1: memref<2x10000x128xf32, #tpu.memory_space<vmem>>, %arg2: memref<128x128xf32, #tpu.memory_space<vmem>>, %arg3: memref<1x128xf32, #tpu.memory_space<vmem>>, %arg4: memref<10000x128xf32, #tpu.memory_space<vmem>>) attributes {dimension_semantics = [#tpu.dimension_semantics<arbitrary>], iteration_bounds = array<i64: 1>, scalar_prefetch = 0 : i64, scratch_operands = 0 : i64, tpu.core_type = #tpu.core_type<tc>, window_params = [{transform_indices = @transform_0, window_bounds = array<i64: 2, 10000, 128>}, {pipeline_mode = #tpu.pipeline_mode<synchronous>, transform_indices = @transform_1, window_bounds = array<i64: 128, 128>}, {pipeline_mode = #tpu.pipeline_mode<synchronous>, transform_indices = @transform_2, window_bounds = array<i64: 1, 128>}, {transform_indices = @transform_3, window_bounds = array<i64: 10000, 128>}]} {
    %get3A = arith.constant 0 : index
    %get3A_0 = arith.constant 0 : index
    %get3A_1 = arith.constant 0 : index
    %get3A_2 = vector.load %arg1[%get3A, %get3A_0, %get3A_1] : memref<2x10000x128xf32, #tpu.memory_space<vmem>>, vector<1x10000x128xf32>
    %get3A_3 = vector.shape_cast %get3A_2 : vector<1x10000x128xf32> to vector<10000x128xf32>
    %get3A_4 = arith.constant 1 : index
    %get3A_5 = arith.constant 0 : index
    %get3A_6 = arith.constant 0 : index
    %get3A_7 = vector.load %arg1[%get3A_4, %get3A_5, %get3A_6] : memref<2x10000x128xf32, #tpu.memory_space<vmem>>, vector<1x10000x128xf32>
    %get3A_8 = vector.shape_cast %get3A_7 : vector<1x10000x128xf32> to vector<10000x128xf32>
    %add3A = arith.addf %get3A_3, %get3A_8 : vector<10000x128xf32>
    %max3A = arith.constant 0.000000e+00 : f32
    %max3A_9 = vector.broadcast %max3A : f32 to vector<10000x128xf32>
    %max3A_10 = arith.maximumf %add3A, %max3A_9 : vector<10000x128xf32>
    %get3A_11 = arith.constant 0 : index
    %get3A_12 = arith.constant 0 : index
    %get3A_13 = vector.load %arg2[%get3A_11, %get3A_12] : memref<128x128xf32, #tpu.memory_space<vmem>>, vector<128x128xf32>
    %dot_general3A = arith.constant dense<0.000000e+00> : vector<10000x128xf32>
    %dot_general3A_14 = tpu.matmul %max3A_10, %get3A_13, %dot_general3A {dimension_numbers = #tpu.dot_dimension_numbers<[1], [1], [0], [0], [0, 0, 1, 0], [], []>, transpose_lhs_hint = false} : vector<10000x128xf32>, vector<128x128xf32>, vector<10000x128xf32> -> vector<10000x128xf32>
    %get3A_15 = arith.constant 0 : index
    %get3A_16 = arith.constant 0 : index
    %get3A_17 = vector.load %arg3[%get3A_15, %get3A_16] : memref<1x128xf32, #tpu.memory_space<vmem>>, vector<1x128xf32>
    %add3A_18 = vector.broadcast %get3A_17 : vector<1x128xf32> to vector<10000x128xf32>
    %add3A_19 = arith.addf %dot_general3A_14, %add3A_18 : vector<10000x128xf32>
    %swap3A = arith.constant 0 : index
    %swap3A_20 = arith.constant 0 : index
    %swap3A_21 = vector.load %arg4[%swap3A, %swap3A_20] : memref<10000x128xf32, #tpu.memory_space<vmem>>, vector<10000x128xf32>
    tpu.vector_store %arg4[%swap3A, %swap3A_20], %add3A_19 {strides = array<i32>} : memref<10000x128xf32, #tpu.memory_space<vmem>>, vector<10000x128xf32>,
    return
  }
  func.func @transform_0(%arg0: i32) -> (i32, i32, i32) {
    %c0_i32 = arith.constant 0 : i32
    %c0_i32_0 = arith.constant 0 : i32
    %c0_i32_1 = arith.constant 0 : i32
    return %c0_i32, %arg0, %c0_i32_0 : i32, i32, i32
  }
  func.func @transform_1(%arg0: i32) -> (i32, i32) {
    %c0_i32 = arith.constant 0 : i32
    %c0_i32_0 = arith.constant 0 : i32
    %c0_i32_1 = arith.constant 0 : i32
    return %c0_i32, %c0_i32_0 : i32, i32
  }
  func.func @transform_2(%arg0: i32) -> (i32, i32) {
    %c0_i32 = arith.constant 0 : i32
    %c0_i32_0 = arith.constant 0 : i32
    %c0_i32_1 = arith.constant 0 : i32
    return %c0_i32, %c0_i32_0 : i32, i32
  }
  func.func @transform_3(%arg0: i32) -> (i32, i32) {
    %c0_i32 = arith.constant 0 : i32
    %c0_i32_0 = arith.constant 0 : i32
    return %arg0, %c0_i32 : i32, i32
  }
}

module attributes {stable_mosaic.version = 14 : i64} {
  func.func @_relu_agg_body(%arg0: i32, %arg1: memref<2x10000x128xf32, #tpu.memory_space<vmem>>, %arg2: memref<10000x128xf32, #tpu.memory_space<vmem>>) attributes {dimension_semantics = [#tpu.dimension_semantics<arbitrary>], iteration_bounds = array<i64: 1>, scalar_prefetch = 0 : i64, scratch_operands = 0 : i64, tpu.core_type = #tpu.core_type<tc>, window_params = [{transform_indices = @transform_0, window_bounds = array<i64: 2, 10000, 128>}, {transform_indices = @transform_1, window_bounds = array<i64: 10000, 128>}]} {
    %get3A = arith.constant 0 : index
    %get3A_0 = arith.constant 0 : index
    %get3A_1 = arith.constant 0 : index
    %get3A_2 = vector.load %arg1[%get3A, %get3A_0, %get3A_1] : memref<2x10000x128xf32, #tpu.memory_space<vmem>>, vector<1x10000x128xf32>
    %get3A_3 = vector.shape_cast %get3A_2 : vector<1x10000x128xf32> to vector<10000x128xf32>
    %get3A_4 = arith.constant 1 : index
    %get3A_5 = arith.constant 0 : index
    %get3A_6 = arith.constant 0 : index
    %get3A_7 = vector.load %arg1[%get3A_4, %get3A_5, %get3A_6] : memref<2x10000x128xf32, #tpu.memory_space<vmem>>, vector<1x10000x128xf32>
    %get3A_8 = vector.shape_cast %get3A_7 : vector<1x10000x128xf32> to vector<10000x128xf32>
    %add3A = arith.addf %get3A_3, %get3A_8 : vector<10000x128xf32>
    %max3A = arith.constant 0.000000e+00 : f32
    %max3A_9 = vector.broadcast %max3A : f32 to vector<10000x128xf32>
    %max3A_10 = arith.maximumf %add3A, %max3A_9 : vector<10000x128xf32>
    %swap3A = arith.constant 0 : index
    %swap3A_11 = arith.constant 0 : index
    %swap3A_12 = vector.load %arg2[%swap3A, %swap3A_11] : memref<10000x128xf32, #tpu.memory_space<vmem>>, vector<10000x128xf32>
    tpu.vector_store %arg2[%swap3A, %swap3A_11], %max3A_10 {strides = array<i32>} : memref<10000x128xf32, #tpu.memory_space<vmem>>, vector<10000x128xf32>,
    return
  }
  func.func @transform_0(%arg0: i32) -> (i32, i32, i32) {
    %c0_i32 = arith.constant 0 : i32
    %c0_i32_0 = arith.constant 0 : i32
    %c0_i32_1 = arith.constant 0 : i32
    return %c0_i32, %arg0, %c0_i32_0 : i32, i32, i32
  }
  func.func @transform_1(%arg0: i32) -> (i32, i32) {
    %c0_i32 = arith.constant 0 : i32
    %c0_i32_0 = arith.constant 0 : i32
    return %arg0, %c0_i32 : i32, i32
  }
}

</mosaic_0001>

<sc_bundles>
// kernel: kernel.10.cloned.1.call-start
scs
__scs_entry_jumppad:
0x0: {  	(pc) =	sbr.rel $0x88, $3  }
0x1: {  	(tag) =	ssettag $0x0;
	lr =	simm.s32 $0x1  }
0x2: {  	[smem:$0x3F9B] =	sst lr;
	_ =	strace $0xD0000000  }
0x3: {  	_ = 	snop  }
0x4: {  	_ = 	snop  }
0x5: {  	_ = 	snop  }
0x6: {  	_ = 	snop  }
0x7: {  	_ = 	snop  }
__scs_overlays_trampoline_lowered:
0x8: {  	[smem:$0x3FAA] =	sst s0  }
0x9: {  	[smem:$0x3FAB] =	sst s1  }
0xa: {  	[smem:$0x3FAC] =	sst s2  }
0xb: {  	[smem:$0x3FAD] =	sst s3  }
0xc: {  	[smem:$0x3FAE] =	sst s4  }
0xd: {  	[smem:$0x3FAF] =	sst s5  }
0xe: {  	[smem:$0x3FB0] =	sst s6  }
0xf: {  	[smem:$0x3FB1] =	sst s7  }
0x10: {  	[smem:$0x3FB2] =	sst s8  }
0x11: {  	[smem:$0x3FB3] =	sst s9;
	s0 =	simm.s32 @!p0 $0x0  }
0x12: {  	s1 =	sld [smem:$0x3F99];
	s0 =	simm.s32 @p0 $0x1  }
0x13: {  	[smem:$0x3FB4] =	sst s0;
	s0 =	simm.s32 @!p1 $0x0  }
0x14: {  	s2 =	sld [smem:$0x3F98];
	s0 =	simm.s32 @p1 $0x1  }
0x15: {  	[smem:$0x3FB5] =	sst s0;
	s0 =	simm.s32 @!p2 $0x0  }
0x16: {  	s3 =	sld [smem:$0x3FDB];
	s0 =	simm.s32 @p2 $0x1  }
0x17: {  	s4 =	simm.s32 $0x1BF5;
	[smem:$0x3FB7] =	sst s0  }
0x18: {  	s0 =	sld [smem:$0x3F9A];
	_ =	swait.ge [sflag:s4], $0x0  }
0x19: {  	s7 =	sld [smem:$0x3F9B]  }
0x1a: {  	s8 =	sadd.s32 $0xFFFFE003, lr  }
0x1b: {  	s9 =	sadd.s32 $0xFFFFFEF7, lr;
	s5 =	simm.s32 $0xFFFFFFFF;
	p2 =	slt.u32 s8, $0xFFFFF086  }
0x1c: {  	p1 =	slt.u32 s9, $0xF7A;
	s5 =	simm.s32 @!p2 $0x0  }
0x1d: {  	s5 =	simm.s32 @p1 $0x1;
	p0 =	seq.s32 s7, s2  }
0x1e: {  	s7 =	smul.u32 @!p0 $0xF7A, s2;
	p2 =	seq.s32 @!p0 s5, $0x0  }
0x1f: {  	s9 =	smul.u32 $0xF7A, s1;
	s8 =	simm.s32 @!p0 $0x1BF5;
	p2 =	por !p2, p0  }
0x20: {  	[sflag:s8] =	ssyncset.s32 @!p0 $0xFFFFF086;
	s6 =	sadd.s32 @!p0 s3, s7;
	s7 =	simm.s32 @!p0 $0x108  }
0x21: {  	s3 =	sadd.s32 s3, s9;
	s6 =	sadd.s32 @!p0 $0x88, s6;
	s7 =	simm.s32 @p2 $0x1082  }
0x22: {  	[simem:s7], [sflag:s8] =	dma.local @!p0 [hbm:s6], $0xF7A  }
0x23: {  	s9 =	sor.u32 $0xD0000000, s2;
	s6 =	simm.s32 $0x108;
	_ =	swait.ge @!p0 [sflag:s8], $0x0  }
0x24: {  	s3 =	sadd.s32 $0x88, s3;
	s6 =	simm.s32 @!p1 $0x1082;
	[sflag:s4] =	ssyncset.s32 $0xFFFFF086  }
0x25: {  	[simem:s6], [sflag:s4] =	dma.local [hbm:s3], $0xF7A  }
0x26: {  	[smem:$0x3F9B] =	sst s1;
	(tag) =	ssettag s2;
	_ =	strace s9  }
0x27: {  	s1 =	sld [smem:$0x3FAB]  }
0x28: {  	s2 =	sld [smem:$0x3FAC]  }
0x29: {  	s4 =	sld [smem:$0x3FAE]  }
0x2a: {  	p0 =	seq.s32 s5, $0x0;
	s5 =	sld [smem:$0x3FAF]  }
0x2b: {  	s6 =	sld [smem:$0x3FB0]  }
0x2c: {  	s7 =	sld [smem:$0x3FB1]  }
0x2d: {  	s3 =	simm.s32 $0x108;
	s8 =	sld [smem:$0x3FB2]  }
0x2e: {  	s3 =	simm.s32 @!p0 $0x1082;
	s9 =	sld [smem:$0x3FB3]  }
0x2f: {  	lr =	sadd.s32 s0, s3;
	s0 =	sld [smem:$0x3FAA]  }
0x30: {  	s3 =	sld [smem:$0x3FAD]  }
0x31: {  	[smem:$0x3FB6] =	sst s10  }
0x32: {  	s10 =	sld [smem:$0x3FB4];
	_ =	sdelay $0x3  }
0x33: {  	p0 =	seq.s32 s10, $0x1;
	s10 =	sld [smem:$0x3FB6];
	_ =	sdelay $0x3  }
0x34: {  	[smem:$0x3FB6] =	sst s10  }
0x35: {  	s10 =	sld [smem:$0x3FB5];
	_ =	sdelay $0x3  }
0x36: {  	p1 =	seq.s32 s10, $0x1;
	s10 =	sld [smem:$0x3FB6];
	_ =	sdelay $0x3  }
0x37: {  	[smem:$0x3FB6] =	sst s10  }
0x38: {  	s10 =	sld [smem:$0x3FB7]  }
0x39: {  	_ = 	snop;
	(pc) =	sbr.ind lr, $3  }
0x3a: {  	_ = 	snop  }
0x3b: {  	_ = 	snop  }
0x3c: {  	p2 =	seq.s32 s10, $0x1;
	s10 =	sld [smem:$0x3FB6]  }
0x3d: {  	_ =	shalt  }
0x3e: {  	_ =	shalt  }
0x3f: {  	_ =	shalt  }
0x40: {  	_ =	shalt  }
0x41: {  	_ =	shalt  }
0x42: {  	_ =	shalt  }
0x43: {  	_ =	shalt  }
0x44: {  	_ =	shalt  }
0x45: {  	_ =	shalt  }
0x46: {  	_ =	shalt  }
0x47: {  	_ =	shalt  }
0x48: {  	_ =	shalt  }
0x49: {  	_ =	shalt  }
0x4a: {  	_ =	shalt  }
0x4b: {  	_ =	shalt  }
0x4c: {  	_ =	shalt  }
0x4d: {  	_ =	shalt  }
0x4e: {  	_ =	shalt  }
0x4f: {  	_ =	shalt  }
0x50: {  	_ =	shalt  }
0x51: {  	_ =	shalt  }
0x52: {  	_ =	shalt  }
0x53: {  	_ =	shalt  }
0x54: {  	_ =	shalt  }
0x55: {  	_ =	shalt  }
0x56: {  	_ =	shalt  }
0x57: {  	_ =	shalt  }
0x58: {  	_ =	shalt  }
0x59: {  	_ =	shalt  }
0x5a: {  	_ =	shalt  }
0x5b: {  	_ =	shalt  }
0x5c: {  	_ =	shalt  }
0x5d: {  	_ =	shalt  }
0x5e: {  	_ =	shalt  }
0x5f: {  	_ =	shalt  }
0x60: {  	_ =	shalt  }
0x61: {  	_ =	shalt  }
0x62: {  	_ =	shalt  }
0x63: {  	_ =	shalt  }
0x64: {  	_ =	shalt  }
0x65: {  	_ =	shalt  }
0x66: {  	_ =	shalt  }
0x67: {  	_ =	shalt  }
0x68: {  	_ =	shalt  }
0x69: {  	_ =	shalt  }
0x6a: {  	_ =	shalt  }
0x6b: {  	_ =	shalt  }
0x6c: {  	_ =	shalt  }
0x6d: {  	_ =	shalt  }
0x6e: {  	_ =	shalt  }
0x6f: {  	_ =	shalt  }
0x70: {  	_ =	shalt  }
0x71: {  	_ =	shalt  }
0x72: {  	_ =	shalt  }
0x73: {  	_ =	shalt  }
0x74: {  	_ =	shalt  }
0x75: {  	_ =	shalt  }
0x76: {  	_ =	shalt  }
0x77: {  	_ =	shalt  }
0x78: {  	_ =	shalt  }
0x79: {  	_ =	shalt  }
0x7a: {  	_ =	shalt  }
0x7b: {  	_ =	shalt  }
0x7c: {  	_ =	shalt  }
0x7d: {  	_ =	shalt  }
0x7e: {  	_ =	shalt  }
0x7f: {  	_ =	shalt  }
0x80: {  	_ =	shalt  }
0x81: {  	_ =	shalt  }
0x82: {  	_ =	shalt  }
0x83: {  	_ =	shalt  }
0x84: {  	_ =	shalt  }
0x85: {  	_ =	shalt  }
0x86: {  	_ =	shalt  }
0x87: {  	_ =	shalt  }
.Lfunc_end0:
.L_simem_size_0:
called_computation.1_lowered:
.L_overlay_start_0:
0x88: {  	s2 =	sld [smem:$0x3FD9]  }
0x89: {  	s3 =	sld [smem:$0x3FFE];
	_ =	sdelay $0x1  }
0x8a: {  	s1 =	srdreg.scid  }
0x8b: {  	s0 =	sand.u32 $0x1, s1  }
0x8c: {  	s17 =	sshll.u32 s0, $0xA;
	s2 =	sadd.s32 s3, s2  }
0x8d: {  	s2 =	sadd.s32 s2, s17  }
0x8e: {  	[smem:$0x3FC2] =	sst s2  }
0x8f: {  	_ = 	snop  }
0x90: {  	s2 =	sld [smem:$0x3FD0];
	(tm) =	ssettm $0x1  }
0x91: {  	s18 =	sld [smem:$0x3FFB];
	_ =	sdelay $0x3  }
0x92: {  	_ =	strace s18  }
0x93: {  	s3 =	sld [smem:$0x3FFC];
	_ =	sdelay $0x3  }
0x94: {  	_ =	strace s3  }
0x95: {  	s3 =	sld [smem:$0x3FFD];
	_ =	sdelay $0x3  }
0x96: {  	_ =	strace s3  }
0x97: {  	_ =	strace $0x8FFFFFFF  }
0x98: {  	s19 =	sld [smem:$0x3FDB];
	_ =	sdelay $0x1  }
0x99: {  	s4 =	simm.s32 $_scs_section_size  }
0x9a: {  	s5 =	simm.s32 $_size__tile_overlayer_lowered;
	s6 =	simm.s32 $_tile_overlayer_lowered  }
0x9b: {  	s22 =	simm.s32 $0x1BFF;
	s21 =	sshll.u32 s6, $0x1;
	s3 =	sadd.s32 s4, s19  }
0x9c: {  	s7 =	simm.s32 $0x0;
	s20 =	sshll.u32 s5, $0x1;
	s5 =	sadd.s32 s21, s3  }
0x9d: {  	[timem:s7], [sflag:s22] =	dma.local [hbm:s5], s20  }
0x9e: {  	_ =	swait.ge [sflag:s22], s20  }
0x9f: {  	s4 =	ssub.s32 $0x0, s20;
	[sflag:s22] =	ssyncset.done $0x0  }
0xa0: {  	[sflag:s22] =	ssyncadd.s32 s4;
	_ =	sdelay $0x1  }
0xa1: {  	s23 =	simm.s32 $0x1B8B  }
0xa2: {  	_ =	swait.ge [sflag:s23], $0x1  }
0xa3: {  	[sflag:s23] =	ssyncset.done $0x0  }
0xa4: {  	s25 =	simm.s32 $0x1B8E;
	s24 =	sld [smem:$0x3FFE];
	[sflag:s23] =	ssyncadd.s32 $0xFFFFFFFF  }
0xa5: {  	s26 =	simm.s32 $execute0_lowered;
	[smem:$0x3FD2] =	sst s25  }
0xa6: {  	s5 =	sshll.u32 s26, $0x1;
	_ =	strace $0x80000049;
	[dreg:$0x1] =	wrdreg $0xFFFFFFFF  }
0xa7: {  	s28 =	simm.s32 $_size_execute0_lowered;
	s3 =	sadd.s32 s3, s5;
	[dreg:$0x0] =	wrdreg $0x0  }
0xa8: {  	s5 =	sshll.u32 s28, $0x1;
	[dreg:$0x2] =	wrdreg s3  }
0xa9: {  	[dreg:$0x3] =	wrdreg s5  }
0xaa: {  	[dreg:$0x4] =	wrdreg $0xC0  }
0xab: {  	_ =	task [dreg:s7], $0x5FFFF  }
0xac: {  	[dreg:$0x1] =	wrdreg $0xFFFFFFFF  }
0xad: {  	[dreg:$0x0] =	wrdreg $0x60  }
0xae: {  	[dreg:$0x2] =	wrdreg s2  }
0xaf: {  	[dreg:$0x3] =	wrdreg s24  }
0xb0: {  	[dreg:$0x4] =	wrdreg $0xA8000  }
0xb1: {  	[dreg:$0x5] =	wrdreg $0x9  }
0xb2: {  	_ =	task.clear_ibuf [dreg:s7], $0x6FFFF;
	_ =	strace $0x90000049  }
0xb3: {  	s29 =	simm.s32 $0x9;
	_ =	strace $0x8000004B  }
0xb4: {  	_ =	swait.ge [sflag:s29], $0x1  }
0xb5: {  	[sflag:s29] =	ssyncadd.s32 $0xFFFFFFFF  }
0xb6: {  	_ =	strace $0x9000004B  }
0xb7: {  	_ =	sfence  }
0xb8: {  	s30 =	sld [smem:$0x0];
	_ =	sdelay $0x2  }
0xb9: {  	s31 =	sshll.u32 s1, $0xD;
	s1 =	sshrl.u32 s1, $0x2  }
0xba: {  	s3 =	sand.u32 $0x4000, s31;
	s1 =	sadd.s32 s1, s30  }
0xbb: {  	s0 =	sor.u32 s3, s0;
	s1 =	sshll.u32 s1, $0x11  }
0xbc: {  	s0 =	sor.u32 s1, s0  }
0xbd: {  	s0 =	sadd.s32 $0x8F2B, s0  }
0xbe: {  	[sflag:s0] =	ssyncadd.remote.s32 $0x1  }
0xbf: {  	_ =	sfence.sel $0xFFFF  }
0xc0: {  	[dreg:$0x0] =	wrdreg $0xFFFFFFFF;
	(pc) =	sbr.abs _section_cstart, $3  }
0xc1: {  	[dreg:$0x1] =	wrdreg $0xFFFFFFFF  }
0xc2: {  	_ =	task.clear_ibuf [dreg:s7], $0x2FFFF;
	_ =	strace $0x9FFFFFFF  }
0xc3: {  	(tm) =	ssettm $0x7FFFFFFF  }
tec
execute0_lowered:
.L_overlay_start_1:
0x0: {  	(tag) =	ssettag $0x1  }
0x1: {  	s1 =	rddreg [dreg:$0x0]  }
0x2: {  	s6 =	rddreg [dreg:$0x1]  }
0x3: {  	s2 =	rddreg [dreg:$0x2]  }
0x4: {  	s0 =	rddreg [dreg:$0x3]  }
0x5: {  	s4 =	simm.s32 $0x0;
	s3 =	srdreg.scid;
	s15 =	simm.s32 $0x1400  }
0x6: {  	s18 =	simm.s32 $0x6800;
	s19 =	simm.s32 $0x1;
	s20 =	simm.s32 $0x2  }
0x7: {  	s21 =	simm.s32 $0x1380;
	s22 =	simm.s32 $0x2700;
	s23 =	simm.s32 $0x2780  }
0x8: {  	s24 =	simm.s32 $0x0;
	[smem:$0x7FF] =	sst s4;
	s7 =	sand.u32 $0x1, s3  }
0x9: {  	s3 =	stileid.u32;
	s10 =	sadd.s32 $0xB800, s6;
	s8 =	smul.u32 $0x140000, s7  }
0xa: {  	s11 =	sadd.s32 $0x1800, s6;
	_ =	strace $0x8000004A;
	s9 =	smul.u32 $0x14000, s3  }
0xb: {  	s5 =	sshll.u32 s7, $0x4;
	s7 =	ssub.s32 $0x2, s7;
	s26 =	smul.u32 $0x50000, s3  }
0xc: {  	s16 =	sshll.u32 s3, $0x6;
	s12 =	sor.u32 s3, s5;
	s5 =	sadd.s32 $0x15800, s6  }
0xd: {  	s28 =	sshrl.u32 s7, $0x1;
	s16 =	sor.u32 $0x1C03, s16;
	s8 =	sadd.s32 s9, s8  }
0xe: {  	s25 =	smul.u32 $0x2800, s12;
	s14 =	ssub.s32 s7, s28;
	s30 =	sshrl.u32 s26, $0x2  }
0xf: {  	s12 =	simm.s32 $0x3;
	s8 =	sshrl.u32 s8, $0x3;
	s17 =	sadd.s32 s30, s2  }
0x10: {  	s13 =	sadd.s32 s8, s6;
	s29 =	sshrl.u32 s25, $0x3;
	s17 =	sshrl.u32 s17, $0x3  }
0x11: {  	s6 =	sadd.s32 s10, s29;
	s7 =	sadd.s32 s11, s29;
	s31 =	sadd.s32 $0x280, s29  }
0x12: {  	s8 =	sadd.s32 s10, s31;
	s9 =	sadd.s32 s11, s31;
	s10 =	sadd.s32 $0x18000, s13  }
0x13: {  	s11 =	smax.u32 s14, $0x1;
	s13 =	simm.s32 $0x80;
	s14 =	simm.s32 $0x2800  }
.LBB2_1:
0x14: {  	[tilespmem:s4], [sflag:$0x3] =	stream.linear.gather [hbm4b:s6+s4], $0x1400, $0x38;
	[tilespmem:$0x1E800] =	vst v63  }
0x15: {  	_ =	swait.ge [sflag:s12], $0x1400  }
0x16: {  	[sflag:s12] =	ssyncset.done $0x0  }
0x17: {  	[sflag:s12] =	ssyncadd.s32 $0xFFFFEC00  }
0x18: {  	[tilespmem:s14], [sflag:$0x1] =	stream.indirect.gather [hbm4b:s1+s13], $0x80, s4, s13, $0xb8;
	[tilespmem:$0x1E800] =	vst v63  }
0x19: {  	_ = 	snop  }
0x1a: {  	[tilespmem:s15], [sflag:$0x3] =	stream.linear.gather [hbm4b:s7+s4], $0x1400, $0x38;
	[tilespmem:$0x1E800] =	vst v63  }
0x1b: {  	_ =	swait.ge [sflag:s12], $0x1400  }
0x1c: {  	[sflag:s12] =	ssyncset.done $0x0  }
0x1d: {  	[sflag:s12] =	ssyncadd.s32 $0xFFFFEC00  }
0x1e: {  	[spmem:s17], [sflag:s16] =	dma.local [hbm:s5], $0x2800  }
0x1f: {  	_ =	swait.ge [sflag:s12], $0x2800  }
0x20: {  	[sflag:s12] =	ssyncset.done $0x0  }
0x21: {  	[sflag:s12] =	ssyncadd.s32 $0xFFFFD800  }
0x22: {  	s25 =	simm.s32 $0x80;
	[bflag:$0x0] =	sbarrier.arrive $0xFFFF  }
0x23: {  	[tilespmem:s18], [sflag:$0x2] =	stream.indirect.gather [hbm4b:s1+s13], $0x80, s25, s13, $0xb8;
	[tilespmem:$0x1E800] =	vst v63  }
0x24: {  	_ =	swait.ge [sflag:s19], $0x4000  }
0x25: {  	[sflag:s19] =	ssyncset.done $0x0  }
0x26: {  	s29 =	simm.s32 $0x1400;
	[sflag:s19] =	ssyncadd.s32 $0xFFFFC000  }
0x27: {  	[spmem:s2] =	stream.indirect.scatter.add.f32 [tilespmem:s14], [sflag:$0x3], $0x80, s29, s13, $0xb8;
	[tilespmem:$0x1E800] =	vst v63  }
0x28: {  	_ =	swait.ge [sflag:s12], $0x4000  }
0x29: {  	[sflag:s12] =	ssyncset.done $0x0  }
0x2a: {  	s30 =	simm.s32 $0x100;
	[sflag:s12] =	ssyncadd.s32 $0xFFFFC000  }
0x2b: {  	[tilespmem:s14], [sflag:$0x1] =	stream.indirect.gather [hbm4b:s1+s13], $0x80, s30, s13, $0xb8;
	[tilespmem:$0x1E800] =	vst v63  }
0x2c: {  	_ =	swait.ge [sflag:s20], $0x4000  }
0x2d: {  	[sflag:s20] =	ssyncset.done $0x0  }
0x2e: {  	s31 =	simm.s32 $0x1480;
	[sflag:s20] =	ssyncadd.s32 $0xFFFFC000  }
0x2f: {  	[spmem:s2] =	stream.indirect.scatter.add.f32 [tilespmem:s18], [sflag:$0x3], $0x80, s31, s13, $0xb8;
	[tilespmem:$0x1E800] =	vst v63  }
0x30: {  	_ =	swait.ge [sflag:s12], $0x4000  }
0x31: {  	s26 =	simm.s32 $0x800;
	s25 =	simm.s32 $0x100;
	[sflag:s12] =	ssyncset.done $0x0  }
.LBB2_2:
0x32: {  	s28 =	sadd.s32 $0x80, s25  }
0x33: {  	[sflag:s12] =	ssyncadd.s32 $0xFFFFC000;
	s29 =	smov.u32 s26;
	s30 =	sadd.s32 $0x400, s26  }
0x34: {  	[tilespmem:s18], [sflag:$0x2] =	stream.indirect.gather [hbm4b:s1+s13], $0x80, s28, s13, $0xb8;
	[tilespmem:$0x1E800] =	vst v63  }
0x35: {  	p0 =	sne.s32 s26, $0x4800;
	_ =	swait.ge [sflag:s19], $0x4000  }
0x36: {  	[sflag:s19] =	ssyncset.done $0x0  }
0x37: {  	s26 =	sadd.s32 $0x1400, s25;
	[sflag:s19] =	ssyncadd.s32 $0xFFFFC000  }
0x38: {  	[spmem:s2] =	stream.indirect.scatter.add.f32 [tilespmem:s14], [sflag:$0x3], $0x80, s26, s13, $0xb8;
	[tilespmem:$0x1E800] =	vst v63  }
0x39: {  	_ =	swait.ge [sflag:s12], $0x4000  }
0x3a: {  	[sflag:s12] =	ssyncset.done $0x0  }
0x3b: {  	s26 =	sadd.s32 $0x100, s25;
	[sflag:s12] =	ssyncadd.s32 $0xFFFFC000  }
0x3c: {  	[tilespmem:s14], [sflag:$0x1] =	stream.indirect.gather [hbm4b:s1+s13], $0x80, s26, s13, $0xb8;
	[tilespmem:$0x1E800] =	vst v63  }
0x3d: {  	_ =	swait.ge [sflag:s20], $0x4000  }
.Ltmp0:
0x3e: {  	[sflag:s20] =	ssyncset.done $0x0;
	(pc) =	sbr.rel @p0 .LBB2_2-.Ltmp0, $4  }
0x3f: {  	s25 =	sadd.s32 $0x1480, s25;
	[sflag:s20] =	ssyncadd.s32 $0xFFFFC000  }
0x40: {  	[spmem:s2] =	stream.indirect.scatter.add.f32 [tilespmem:s18], [sflag:$0x3], $0x80, s25, s13, $0xb8;
	[tilespmem:$0x1E800] =	vst v63  }
0x41: {  	_ =	swait.ge [sflag:s12], $0x4000  }
0x42: {  	s26 =	smov.u32 s30;
	s25 =	sshra.s32 s29, $0x2;
	[sflag:s12] =	ssyncset.done $0x0  }
0x43: {  	s26 =	sadd.s32 $0x80, s25;
	[sflag:s12] =	ssyncadd.s32 $0xFFFFC000  }
0x44: {  	[tilespmem:s18], [sflag:$0x2] =	stream.indirect.gather [hbm4b:s1+s13], $0x80, s26, s13, $0xb8;
	[tilespmem:$0x1E800] =	vst v63  }
0x45: {  	_ =	swait.ge [sflag:s19], $0x4000  }
0x46: {  	[sflag:s19] =	ssyncset.done $0x0  }
0x47: {  	s29 =	sadd.s32 $0x1400, s25;
	[sflag:s19] =	ssyncadd.s32 $0xFFFFC000  }
0x48: {  	[spmem:s2] =	stream.indirect.scatter.add.f32 [tilespmem:s14], [sflag:$0x3], $0x80, s29, s13, $0xb8;
	[tilespmem:$0x1E800] =	vst v63  }
0x49: {  	_ =	swait.ge [sflag:s12], $0x4000  }
0x4a: {  	[sflag:s12] =	ssyncset.done $0x0  }
0x4b: {  	s30 =	sadd.s32 $0x100, s25;
	[sflag:s12] =	ssyncadd.s32 $0xFFFFC000  }
0x4c: {  	[tilespmem:s14], [sflag:$0x1] =	stream.indirect.gather [hbm4b:s1+s13], $0x80, s30, s13, $0xb8;
	[tilespmem:$0x1E800] =	vst v63  }
0x4d: {  	_ =	swait.ge [sflag:s20], $0x4000  }
0x4e: {  	[sflag:s20] =	ssyncset.done $0x0  }
0x4f: {  	s31 =	sadd.s32 $0x1480, s25;
	[sflag:s20] =	ssyncadd.s32 $0xFFFFC000  }
0x50: {  	[spmem:s2] =	stream.indirect.scatter.add.f32 [tilespmem:s18], [sflag:$0x3], $0x80, s31, s13, $0xb8;
	[tilespmem:$0x1E800] =	vst v63  }
0x51: {  	_ =	swait.ge [sflag:s12], $0x4000  }
0x52: {  	[sflag:s12] =	ssyncset.done $0x0  }
0x53: {  	[sflag:s12] =	ssyncadd.s32 $0xFFFFC000  }
0x54: {  	[tilespmem:s18], [sflag:$0x2] =	stream.indirect.gather [hbm4b:s1+s13], $0x80, s21, s13, $0xb8;
	[tilespmem:$0x1E800] =	vst v63  }
0x55: {  	_ =	swait.ge [sflag:s19], $0x4000  }
0x56: {  	[sflag:s19] =	ssyncset.done $0x0  }
0x57: {  	[sflag:s19] =	ssyncadd.s32 $0xFFFFC000  }
0x58: {  	[spmem:s2] =	stream.indirect.scatter.add.f32 [tilespmem:s14], [sflag:$0x3], $0x80, s22, s13, $0xb8;
	[tilespmem:$0x1E800] =	vst v63  }
0x59: {  	_ =	swait.ge [sflag:s12], $0x4000  }
0x5a: {  	[sflag:s12] =	ssyncset.done $0x0  }
0x5b: {  	[sflag:s12] =	ssyncadd.s32 $0xFFFFC000  }
0x5c: {  	_ =	swait.ge [sflag:s20], $0x4000  }
0x5d: {  	[sflag:s20] =	ssyncset.done $0x0  }
0x5e: {  	[sflag:s20] =	ssyncadd.s32 $0xFFFFC000  }
0x5f: {  	[spmem:s2] =	stream.indirect.scatter.add.f32 [tilespmem:s18], [sflag:$0x3], $0x80, s23, s13, $0xb8;
	[tilespmem:$0x1E800] =	vst v63  }
0x60: {  	_ =	swait.ge [sflag:s12], $0x4000  }
0x61: {  	[sflag:s12] =	ssyncset.done $0x0  }
0x62: {  	s26 =	simm.s32 $0x0;
	[sflag:s12] =	ssyncadd.s32 $0xFFFFC000  }
0x63: {  	[tilespmem:s26], [sflag:$0x3] =	stream.linear.gather [hbm4b:s8+s26], $0x1400, $0x38;
	[tilespmem:$0x1E800] =	vst v63  }
0x64: {  	_ =	swait.ge [sflag:s12], $0x1400  }
0x65: {  	[sflag:s12] =	ssyncset.done $0x0  }
0x66: {  	[sflag:s12] =	ssyncadd.s32 $0xFFFFEC00  }
0x67: {  	[tilespmem:s15], [sflag:$0x3] =	stream.linear.gather [hbm4b:s9+s26], $0x1400, $0x38;
	[tilespmem:$0x1E800] =	vst v63  }
0x68: {  	_ =	swait.ge [sflag:s12], $0x1400  }
0x69: {  	[sflag:s12] =	ssyncset.done $0x0  }
0x6a: {  	[sflag:s12] =	ssyncadd.s32 $0xFFFFEC00  }
0x6b: {  	[tilespmem:s14], [sflag:$0x1] =	stream.indirect.gather [hbm4b:s1+s13], $0x80, s26, s13, $0xb8;
	[tilespmem:$0x1E800] =	vst v63  }
0x6c: {  	s28 =	simm.s32 $0x80  }
0x6d: {  	[tilespmem:s18], [sflag:$0x2] =	stream.indirect.gather [hbm4b:s1+s13], $0x80, s28, s13, $0xb8;
	[tilespmem:$0x1E800] =	vst v63  }
0x6e: {  	_ =	swait.ge [sflag:s19], $0x4000  }
0x6f: {  	[sflag:s19] =	ssyncset.done $0x0  }
0x70: {  	s29 =	simm.s32 $0x1400;
	[sflag:s19] =	ssyncadd.s32 $0xFFFFC000  }
0x71: {  	[spmem:s2] =	stream.indirect.scatter.add.f32 [tilespmem:s14], [sflag:$0x3], $0x80, s29, s13, $0xb8;
	[tilespmem:$0x1E800] =	vst v63  }
0x72: {  	_ =	swait.ge [sflag:s12], $0x4000  }
0x73: {  	[sflag:s12] =	ssyncset.done $0x0  }
0x74: {  	s30 =	simm.s32 $0x100;
	[sflag:s12] =	ssyncadd.s32 $0xFFFFC000  }
0x75: {  	[tilespmem:s14], [sflag:$0x1] =	stream.indirect.gather [hbm4b:s1+s13], $0x80, s30, s13, $0xb8;
	[tilespmem:$0x1E800] =	vst v63  }
0x76: {  	_ =	swait.ge [sflag:s20], $0x4000  }
0x77: {  	[sflag:s20] =	ssyncset.done $0x0  }
0x78: {  	s31 =	simm.s32 $0x1480;
	[sflag:s20] =	ssyncadd.s32 $0xFFFFC000  }
0x79: {  	[spmem:s2] =	stream.indirect.scatter.add.f32 [tilespmem:s18], [sflag:$0x3], $0x80, s31, s13, $0xb8;
	[tilespmem:$0x1E800] =	vst v63  }
0x7a: {  	_ =	swait.ge [sflag:s12], $0x4000  }
0x7b: {  	s25 =	simm.s32 $0x100;
	s26 =	simm.s32 $0x800;
	[sflag:s12] =	ssyncset.done $0x0  }
.LBB2_4:
0x7c: {  	s28 =	sadd.s32 $0x80, s25  }
0x7d: {  	[sflag:s12] =	ssyncadd.s32 $0xFFFFC000;
	s29 =	smov.u32 s26;
	s30 =	sadd.s32 $0x400, s26  }
0x7e: {  	[tilespmem:s18], [sflag:$0x2] =	stream.indirect.gather [hbm4b:s1+s13], $0x80, s28, s13, $0xb8;
	[tilespmem:$0x1E800] =	vst v63  }
0x7f: {  	p0 =	sne.s32 s26, $0x4800;
	_ =	swait.ge [sflag:s19], $0x4000  }
0x80: {  	[sflag:s19] =	ssyncset.done $0x0  }
0x81: {  	s26 =	sadd.s32 $0x1400, s25;
	[sflag:s19] =	ssyncadd.s32 $0xFFFFC000  }
0x82: {  	[spmem:s2] =	stream.indirect.scatter.add.f32 [tilespmem:s14], [sflag:$0x3], $0x80, s26, s13, $0xb8;
	[tilespmem:$0x1E800] =	vst v63  }
0x83: {  	_ =	swait.ge [sflag:s12], $0x4000  }
0x84: {  	[sflag:s12] =	ssyncset.done $0x0  }
0x85: {  	s26 =	sadd.s32 $0x100, s25;
	[sflag:s12] =	ssyncadd.s32 $0xFFFFC000  }
0x86: {  	[tilespmem:s14], [sflag:$0x1] =	stream.indirect.gather [hbm4b:s1+s13], $0x80, s26, s13, $0xb8;
	[tilespmem:$0x1E800] =	vst v63  }
0x87: {  	_ =	swait.ge [sflag:s20], $0x4000  }
.Ltmp1:
0x88: {  	[sflag:s20] =	ssyncset.done $0x0;
	(pc) =	sbr.rel @p0 .LBB2_4-.Ltmp1, $4  }
0x89: {  	s25 =	sadd.s32 $0x1480, s25;
	[sflag:s20] =	ssyncadd.s32 $0xFFFFC000  }
0x8a: {  	[spmem:s2] =	stream.indirect.scatter.add.f32 [tilespmem:s18], [sflag:$0x3], $0x80, s25, s13, $0xb8;
	[tilespmem:$0x1E800] =	vst v63  }
0x8b: {  	_ =	swait.ge [sflag:s12], $0x4000  }
0x8c: {  	s26 =	smov.u32 s30;
	s25 =	sshra.s32 s29, $0x2;
	[sflag:s12] =	ssyncset.done $0x0  }
0x8d: {  	s26 =	sadd.s32 $0x80, s25;
	[sflag:s12] =	ssyncadd.s32 $0xFFFFC000  }
0x8e: {  	[tilespmem:s18], [sflag:$0x2] =	stream.indirect.gather [hbm4b:s1+s13], $0x80, s26, s13, $0xb8;
	[tilespmem:$0x1E800] =	vst v63  }
0x8f: {  	_ =	swait.ge [sflag:s19], $0x4000  }
0x90: {  	[sflag:s19] =	ssyncset.done $0x0  }
0x91: {  	s29 =	sadd.s32 $0x1400, s25;
	[sflag:s19] =	ssyncadd.s32 $0xFFFFC000  }
0x92: {  	[spmem:s2] =	stream.indirect.scatter.add.f32 [tilespmem:s14], [sflag:$0x3], $0x80, s29, s13, $0xb8;
	[tilespmem:$0x1E800] =	vst v63  }
0x93: {  	_ =	swait.ge [sflag:s12], $0x4000  }
0x94: {  	[sflag:s12] =	ssyncset.done $0x0  }
0x95: {  	s30 =	sadd.s32 $0x100, s25;
	[sflag:s12] =	ssyncadd.s32 $0xFFFFC000  }
0x96: {  	[tilespmem:s14], [sflag:$0x1] =	stream.indirect.gather [hbm4b:s1+s13], $0x80, s30, s13, $0xb8;
	[tilespmem:$0x1E800] =	vst v63  }
0x97: {  	_ =	swait.ge [sflag:s20], $0x4000  }
0x98: {  	[sflag:s20] =	ssyncset.done $0x0  }
0x99: {  	s31 =	sadd.s32 $0x1480, s25;
	[sflag:s20] =	ssyncadd.s32 $0xFFFFC000  }
0x9a: {  	[spmem:s2] =	stream.indirect.scatter.add.f32 [tilespmem:s18], [sflag:$0x3], $0x80, s31, s13, $0xb8;
	[tilespmem:$0x1E800] =	vst v63  }
0x9b: {  	_ =	swait.ge [sflag:s12], $0x4000  }
0x9c: {  	[sflag:s12] =	ssyncset.done $0x0  }
0x9d: {  	[sflag:s12] =	ssyncadd.s32 $0xFFFFC000  }
0x9e: {  	[tilespmem:s18], [sflag:$0x2] =	stream.indirect.gather [hbm4b:s1+s13], $0x80, s21, s13, $0xb8;
	[tilespmem:$0x1E800] =	vst v63  }
0x9f: {  	_ =	swait.ge [sflag:s19], $0x4000  }
0xa0: {  	[sflag:s19] =	ssyncset.done $0x0  }
0xa1: {  	[sflag:s19] =	ssyncadd.s32 $0xFFFFC000  }
0xa2: {  	[spmem:s2] =	stream.indirect.scatter.add.f32 [tilespmem:s14], [sflag:$0x3], $0x80, s22, s13, $0xb8;
	[tilespmem:$0x1E800] =	vst v63  }
0xa3: {  	_ =	swait.ge [sflag:s12], $0x4000  }
0xa4: {  	[sflag:s12] =	ssyncset.done $0x0  }
0xa5: {  	[sflag:s12] =	ssyncadd.s32 $0xFFFFC000  }
0xa6: {  	_ =	swait.ge [sflag:s20], $0x4000  }
0xa7: {  	[sflag:s20] =	ssyncset.done $0x0  }
0xa8: {  	[sflag:s20] =	ssyncadd.s32 $0xFFFFC000  }
0xa9: {  	[spmem:s2] =	stream.indirect.scatter.add.f32 [tilespmem:s18], [sflag:$0x3], $0x80, s23, s13, $0xb8;
	[tilespmem:$0x1E800] =	vst v63  }
0xaa: {  	_ =	swait.ge [sflag:s12], $0x4000  }
0xab: {  	s24 =	sadd.s32 $0x1, s24;
	[sflag:s12] =	ssyncset.done $0x0  }
0xac: {  	p0 =	sne.s32 s24, s11;
	[sflag:s12] =	ssyncadd.s32 $0xFFFFC000  }
.Ltmp2:
0xad: {  	[bflag:$0x0] =	sbarrier.arrive $0xFFFF;
	(pc) =	sbr.rel @p0 .LBB2_1-.Ltmp2, $4  }
0xae: {  	[hbm:s10], [sflag:s16] =	dma.local [spmem:s17], $0x2800  }
0xaf: {  	_ =	swait.ge [sflag:s12], $0x2800  }
0xb0: {  	[sflag:s12] =	ssyncset.done $0x0  }
0xb1: {  	[sflag:s12] =	ssyncadd.s32 $0xFFFFD800  }
0xb2: {  	_ =	sfence.sel $0x180000  }
0xb3: {  	[bflag:$0x0] =	sbarrier.arrive $0xFFFF  }
0xb4: {  	p0 =	sne.s32 s3, $0x0;
	_ =	strace $0x9000004A  }
0xb5: {  	s0 =	sadd.s32 @!p0 $0x100000, s0;
	[bflag:$0x2] =	sbarrier.arrive $0xFFFF  }
0xb6: {  	[sflag:s0] =	ssyncadd.tile.s32 @!p0 $0x1;
	_ =	shalt  }
.Lfunc_end2:
_tile_overlayer_lowered:
.L_overlay_start_2:
0xb7: {  	(tag) =	ssettag $0x2  }
0xb8: {  	s0 =	rddreg [dreg:$0x0];
	s2 =	stileid.u32  }
0xb9: {  	s1 =	rddreg [dreg:$0x1];
	p0 =	sne.s32 s2, $0x0  }
0xba: {  	s3 =	rddreg [dreg:$0x2];
	[bflag:$0x3] =	sbarrier.arrive $0xFFFF;
	s2 =	simm.s32 @!p0 $0x1C03  }
0xbb: {  	[timem:s3], [sflag:s2] =	dma.local @!p0 [hbm:s0], s1  }
0xbc: {  	s0 =	simm.s32 @!p0 $0x3  }
0xbd: {  	_ =	swait.ge @!p0 [sflag:s0], s1  }
0xbe: {  	s1 =	ssub.s32 @!p0 $0x0, s1;
	[sflag:s0] =	ssyncset.done @!p0 $0x0  }
0xbf: {  	[sflag:s0] =	ssyncadd.s32 @!p0 s1  }
0xc0: {  	[bflag:$0x3] =	sbarrier.arrive $0xFFFF  }
0xc1: {  	_ =	shalt  }

// kernel: kernel.7.cloned.1.call-start
scs
__scs_entry_jumppad:
0x0: {  	(pc) =	sbr.rel $0x88, $3  }
0x1: {  	(tag) =	ssettag $0x0;
	lr =	simm.s32 $0x1  }
0x2: {  	[smem:$0x3F9B] =	sst lr;
	_ =	strace $0xD0000000  }
0x3: {  	_ = 	snop  }
0x4: {  	_ = 	snop  }
0x5: {  	_ = 	snop  }
0x6: {  	_ = 	snop  }
0x7: {  	_ = 	snop  }
__scs_overlays_trampoline_lowered:
0x8: {  	[smem:$0x3FAA] =	sst s0  }
0x9: {  	[smem:$0x3FAB] =	sst s1  }
0xa: {  	[smem:$0x3FAC] =	sst s2  }
0xb: {  	[smem:$0x3FAD] =	sst s3  }
0xc: {  	[smem:$0x3FAE] =	sst s4  }
0xd: {  	[smem:$0x3FAF] =	sst s5  }
0xe: {  	[smem:$0x3FB0] =	sst s6  }
0xf: {  	[smem:$0x3FB1] =	sst s7  }
0x10: {  	[smem:$0x3FB2] =	sst s8  }
0x11: {  	[smem:$0x3FB3] =	sst s9;
	s0 =	simm.s32 @!p0 $0x0  }
0x12: {  	s1 =	sld [smem:$0x3F99];
	s0 =	simm.s32 @p0 $0x1  }
0x13: {  	[smem:$0x3FB4] =	sst s0;
	s0 =	simm.s32 @!p1 $0x0  }
0x14: {  	s2 =	sld [smem:$0x3F98];
	s0 =	simm.s32 @p1 $0x1  }
0x15: {  	[smem:$0x3FB5] =	sst s0;
	s0 =	simm.s32 @!p2 $0x0  }
0x16: {  	s3 =	sld [smem:$0x3FDB];
	s0 =	simm.s32 @p2 $0x1  }
0x17: {  	s4 =	simm.s32 $0x1BF5;
	[smem:$0x3FB7] =	sst s0  }
0x18: {  	s0 =	sld [smem:$0x3F9A];
	_ =	swait.ge [sflag:s4], $0x0  }
0x19: {  	s7 =	sld [smem:$0x3F9B]  }
0x1a: {  	s8 =	sadd.s32 $0xFFFFE003, lr  }
0x1b: {  	s9 =	sadd.s32 $0xFFFFFEF7, lr;
	s5 =	simm.s32 $0xFFFFFFFF;
	p2 =	slt.u32 s8, $0xFFFFF086  }
0x1c: {  	p1 =	slt.u32 s9, $0xF7A;
	s5 =	simm.s32 @!p2 $0x0  }
0x1d: {  	s5 =	simm.s32 @p1 $0x1;
	p0 =	seq.s32 s7, s2  }
0x1e: {  	s7 =	smul.u32 @!p0 $0xF7A, s2;
	p2 =	seq.s32 @!p0 s5, $0x0  }
0x1f: {  	s9 =	smul.u32 $0xF7A, s1;
	s8 =	simm.s32 @!p0 $0x1BF5;
	p2 =	por !p2, p0  }
0x20: {  	[sflag:s8] =	ssyncset.s32 @!p0 $0xFFFFF086;
	s6 =	sadd.s32 @!p0 s3, s7;
	s7 =	simm.s32 @!p0 $0x108  }
0x21: {  	s3 =	sadd.s32 s3, s9;
	s6 =	sadd.s32 @!p0 $0x88, s6;
	s7 =	simm.s32 @p2 $0x1082  }
0x22: {  	[simem:s7], [sflag:s8] =	dma.local @!p0 [hbm:s6], $0xF7A  }
0x23: {  	s9 =	sor.u32 $0xD0000000, s2;
	s6 =	simm.s32 $0x108;
	_ =	swait.ge @!p0 [sflag:s8], $0x0  }
0x24: {  	s3 =	sadd.s32 $0x88, s3;
	s6 =	simm.s32 @!p1 $0x1082;
	[sflag:s4] =	ssyncset.s32 $0xFFFFF086  }
0x25: {  	[simem:s6], [sflag:s4] =	dma.local [hbm:s3], $0xF7A  }
0x26: {  	[smem:$0x3F9B] =	sst s1;
	(tag) =	ssettag s2;
	_ =	strace s9  }
0x27: {  	s1 =	sld [smem:$0x3FAB]  }
0x28: {  	s2 =	sld [smem:$0x3FAC]  }
0x29: {  	s4 =	sld [smem:$0x3FAE]  }
0x2a: {  	p0 =	seq.s32 s5, $0x0;
	s5 =	sld [smem:$0x3FAF]  }
0x2b: {  	s6 =	sld [smem:$0x3FB0]  }
0x2c: {  	s7 =	sld [smem:$0x3FB1]  }
0x2d: {  	s3 =	simm.s32 $0x108;
	s8 =	sld [smem:$0x3FB2]  }
0x2e: {  	s3 =	simm.s32 @!p0 $0x1082;
	s9 =	sld [smem:$0x3FB3]  }
0x2f: {  	lr =	sadd.s32 s0, s3;
	s0 =	sld [smem:$0x3FAA]  }
0x30: {  	s3 =	sld [smem:$0x3FAD]  }
0x31: {  	[smem:$0x3FB6] =	sst s10  }
0x32: {  	s10 =	sld [smem:$0x3FB4];
	_ =	sdelay $0x3  }
0x33: {  	p0 =	seq.s32 s10, $0x1;
	s10 =	sld [smem:$0x3FB6];
	_ =	sdelay $0x3  }
0x34: {  	[smem:$0x3FB6] =	sst s10  }
0x35: {  	s10 =	sld [smem:$0x3FB5];
	_ =	sdelay $0x3  }
0x36: {  	p1 =	seq.s32 s10, $0x1;
	s10 =	sld [smem:$0x3FB6];
	_ =	sdelay $0x3  }
0x37: {  	[smem:$0x3FB6] =	sst s10  }
0x38: {  	s10 =	sld [smem:$0x3FB7]  }
0x39: {  	_ = 	snop;
	(pc) =	sbr.ind lr, $3  }
0x3a: {  	_ = 	snop  }
0x3b: {  	_ = 	snop  }
0x3c: {  	p2 =	seq.s32 s10, $0x1;
	s10 =	sld [smem:$0x3FB6]  }
0x3d: {  	_ =	shalt  }
0x3e: {  	_ =	shalt  }
0x3f: {  	_ =	shalt  }
0x40: {  	_ =	shalt  }
0x41: {  	_ =	shalt  }
0x42: {  	_ =	shalt  }
0x43: {  	_ =	shalt  }
0x44: {  	_ =	shalt  }
0x45: {  	_ =	shalt  }
0x46: {  	_ =	shalt  }
0x47: {  	_ =	shalt  }
0x48: {  	_ =	shalt  }
0x49: {  	_ =	shalt  }
0x4a: {  	_ =	shalt  }
0x4b: {  	_ =	shalt  }
0x4c: {  	_ =	shalt  }
0x4d: {  	_ =	shalt  }
0x4e: {  	_ =	shalt  }
0x4f: {  	_ =	shalt  }
0x50: {  	_ =	shalt  }
0x51: {  	_ =	shalt  }
0x52: {  	_ =	shalt  }
0x53: {  	_ =	shalt  }
0x54: {  	_ =	shalt  }
0x55: {  	_ =	shalt  }
0x56: {  	_ =	shalt  }
0x57: {  	_ =	shalt  }
0x58: {  	_ =	shalt  }
0x59: {  	_ =	shalt  }
0x5a: {  	_ =	shalt  }
0x5b: {  	_ =	shalt  }
0x5c: {  	_ =	shalt  }
0x5d: {  	_ =	shalt  }
0x5e: {  	_ =	shalt  }
0x5f: {  	_ =	shalt  }
0x60: {  	_ =	shalt  }
0x61: {  	_ =	shalt  }
0x62: {  	_ =	shalt  }
0x63: {  	_ =	shalt  }
0x64: {  	_ =	shalt  }
0x65: {  	_ =	shalt  }
0x66: {  	_ =	shalt  }
0x67: {  	_ =	shalt  }
0x68: {  	_ =	shalt  }
0x69: {  	_ =	shalt  }
0x6a: {  	_ =	shalt  }
0x6b: {  	_ =	shalt  }
0x6c: {  	_ =	shalt  }
0x6d: {  	_ =	shalt  }
0x6e: {  	_ =	shalt  }
0x6f: {  	_ =	shalt  }
0x70: {  	_ =	shalt  }
0x71: {  	_ =	shalt  }
0x72: {  	_ =	shalt  }
0x73: {  	_ =	shalt  }
0x74: {  	_ =	shalt  }
0x75: {  	_ =	shalt  }
0x76: {  	_ =	shalt  }
0x77: {  	_ =	shalt  }
0x78: {  	_ =	shalt  }
0x79: {  	_ =	shalt  }
0x7a: {  	_ =	shalt  }
0x7b: {  	_ =	shalt  }
0x7c: {  	_ =	shalt  }
0x7d: {  	_ =	shalt  }
0x7e: {  	_ =	shalt  }
0x7f: {  	_ =	shalt  }
0x80: {  	_ =	shalt  }
0x81: {  	_ =	shalt  }
0x82: {  	_ =	shalt  }
0x83: {  	_ =	shalt  }
0x84: {  	_ =	shalt  }
0x85: {  	_ =	shalt  }
0x86: {  	_ =	shalt  }
0x87: {  	_ =	shalt  }
.Lfunc_end0:
.L_simem_size_0:
called_computation_lowered:
.L_overlay_start_0:
0x88: {  	s2 =	sld [smem:$0x3FD9]  }
0x89: {  	s3 =	sld [smem:$0x3FFE];
	_ =	sdelay $0x1  }
0x8a: {  	s1 =	srdreg.scid  }
0x8b: {  	s0 =	sand.u32 $0x1, s1  }
0x8c: {  	s17 =	sshll.u32 s0, $0xA;
	s2 =	sadd.s32 s3, s2  }
0x8d: {  	s2 =	sadd.s32 s2, s17  }
0x8e: {  	[smem:$0x3FC2] =	sst s2  }
0x8f: {  	_ = 	snop  }
0x90: {  	s2 =	sld [smem:$0x3FD0];
	(tm) =	ssettm $0x1  }
0x91: {  	s18 =	sld [smem:$0x3FFB];
	_ =	sdelay $0x3  }
0x92: {  	_ =	strace s18  }
0x93: {  	s3 =	sld [smem:$0x3FFC];
	_ =	sdelay $0x3  }
0x94: {  	_ =	strace s3  }
0x95: {  	s3 =	sld [smem:$0x3FFD];
	_ =	sdelay $0x3  }
0x96: {  	_ =	strace s3  }
0x97: {  	_ =	strace $0x8FFFFFFF  }
0x98: {  	s19 =	sld [smem:$0x3FDB];
	_ =	sdelay $0x1  }
0x99: {  	s4 =	simm.s32 $_scs_section_size  }
0x9a: {  	s5 =	simm.s32 $_size__tile_overlayer_lowered;
	s6 =	simm.s32 $_tile_overlayer_lowered  }
0x9b: {  	s22 =	simm.s32 $0x1BFF;
	s21 =	sshll.u32 s6, $0x1;
	s3 =	sadd.s32 s4, s19  }
0x9c: {  	s7 =	simm.s32 $0x0;
	s20 =	sshll.u32 s5, $0x1;
	s5 =	sadd.s32 s21, s3  }
0x9d: {  	[timem:s7], [sflag:s22] =	dma.local [hbm:s5], s20  }
0x9e: {  	_ =	swait.ge [sflag:s22], s20  }
0x9f: {  	s4 =	ssub.s32 $0x0, s20;
	[sflag:s22] =	ssyncset.done $0x0  }
0xa0: {  	[sflag:s22] =	ssyncadd.s32 s4;
	_ =	sdelay $0x1  }
0xa1: {  	s23 =	simm.s32 $0x1B8B  }
0xa2: {  	_ =	swait.ge [sflag:s23], $0x1  }
0xa3: {  	[sflag:s23] =	ssyncset.done $0x0  }
0xa4: {  	s25 =	simm.s32 $0x1B8E;
	s24 =	sld [smem:$0x3FFE];
	[sflag:s23] =	ssyncadd.s32 $0xFFFFFFFF  }
0xa5: {  	s26 =	simm.s32 $execute0_lowered;
	[smem:$0x3FD2] =	sst s25  }
0xa6: {  	s5 =	sshll.u32 s26, $0x1;
	_ =	strace $0x80000046;
	[dreg:$0x1] =	wrdreg $0xFFFFFFFF  }
0xa7: {  	s28 =	simm.s32 $_size_execute0_lowered;
	s3 =	sadd.s32 s3, s5;
	[dreg:$0x0] =	wrdreg $0x0  }
0xa8: {  	s5 =	sshll.u32 s28, $0x1;
	[dreg:$0x2] =	wrdreg s3  }
0xa9: {  	[dreg:$0x3] =	wrdreg s5  }
0xaa: {  	[dreg:$0x4] =	wrdreg $0xC0  }
0xab: {  	_ =	task [dreg:s7], $0x5FFFF  }
0xac: {  	[dreg:$0x1] =	wrdreg $0xFFFFFFFF  }
0xad: {  	[dreg:$0x0] =	wrdreg $0x60  }
0xae: {  	[dreg:$0x2] =	wrdreg s2  }
0xaf: {  	[dreg:$0x3] =	wrdreg s24  }
0xb0: {  	[dreg:$0x4] =	wrdreg $0xA8000  }
0xb1: {  	[dreg:$0x5] =	wrdreg $0x9  }
0xb2: {  	_ =	task.clear_ibuf [dreg:s7], $0x6FFFF;
	_ =	strace $0x90000046  }
0xb3: {  	s29 =	simm.s32 $0x9;
	_ =	strace $0x80000048  }
0xb4: {  	_ =	swait.ge [sflag:s29], $0x1  }
0xb5: {  	[sflag:s29] =	ssyncadd.s32 $0xFFFFFFFF  }
0xb6: {  	_ =	strace $0x90000048  }
0xb7: {  	_ =	sfence  }
0xb8: {  	s30 =	sld [smem:$0x0];
	_ =	sdelay $0x2  }
0xb9: {  	s31 =	sshll.u32 s1, $0xD;
	s1 =	sshrl.u32 s1, $0x2  }
0xba: {  	s3 =	sand.u32 $0x4000, s31;
	s1 =	sadd.s32 s1, s30  }
0xbb: {  	s0 =	sor.u32 s3, s0;
	s1 =	sshll.u32 s1, $0x11  }
0xbc: {  	s0 =	sor.u32 s1, s0  }
0xbd: {  	s0 =	sadd.s32 $0x8F2B, s0  }
0xbe: {  	[sflag:s0] =	ssyncadd.remote.s32 $0x1  }
0xbf: {  	_ =	sfence.sel $0xFFFF  }
0xc0: {  	[dreg:$0x0] =	wrdreg $0xFFFFFFFF;
	(pc) =	sbr.abs _section_cstart, $3  }
0xc1: {  	[dreg:$0x1] =	wrdreg $0xFFFFFFFF  }
0xc2: {  	_ =	task.clear_ibuf [dreg:s7], $0x2FFFF;
	_ =	strace $0x9FFFFFFF  }
0xc3: {  	(tm) =	ssettm $0x7FFFFFFF  }
tec
execute0_lowered:
.L_overlay_start_1:
0x0: {  	(tag) =	ssettag $0x1  }
0x1: {  	s1 =	rddreg [dreg:$0x0]  }
0x2: {  	s6 =	rddreg [dreg:$0x1]  }
0x3: {  	s2 =	rddreg [dreg:$0x2]  }
0x4: {  	s0 =	rddreg [dreg:$0x3]  }
0x5: {  	s4 =	simm.s32 $0x0;
	s3 =	srdreg.scid;
	s15 =	simm.s32 $0x1400  }
0x6: {  	s18 =	simm.s32 $0x6800;
	s19 =	simm.s32 $0x1;
	s20 =	simm.s32 $0x2  }
0x7: {  	s21 =	simm.s32 $0x1380;
	s22 =	simm.s32 $0x2700;
	s23 =	simm.s32 $0x2780  }
0x8: {  	s24 =	simm.s32 $0x0;
	[smem:$0x7FF] =	sst s4;
	s7 =	sand.u32 $0x1, s3  }
0x9: {  	s3 =	stileid.u32;
	s10 =	sadd.s32 $0xB800, s6;
	s8 =	smul.u32 $0x140000, s7  }
0xa: {  	s11 =	sadd.s32 $0x1800, s6;
	_ =	strace $0x80000047;
	s9 =	smul.u32 $0x14000, s3  }
0xb: {  	s5 =	sshll.u32 s7, $0x4;
	s7 =	ssub.s32 $0x2, s7;
	s26 =	smul.u32 $0x50000, s3  }
0xc: {  	s16 =	sshll.u32 s3, $0x6;
	s12 =	sor.u32 s3, s5;
	s5 =	sadd.s32 $0x15800, s6  }
0xd: {  	s28 =	sshrl.u32 s7, $0x1;
	s16 =	sor.u32 $0x1C03, s16;
	s8 =	sadd.s32 s9, s8  }
0xe: {  	s25 =	smul.u32 $0x2800, s12;
	s14 =	ssub.s32 s7, s28;
	s30 =	sshrl.u32 s26, $0x2  }
0xf: {  	s12 =	simm.s32 $0x3;
	s8 =	sshrl.u32 s8, $0x3;
	s17 =	sadd.s32 s30, s2  }
0x10: {  	s13 =	sadd.s32 s8, s6;
	s29 =	sshrl.u32 s25, $0x3;
	s17 =	sshrl.u32 s17, $0x3  }
0x11: {  	s6 =	sadd.s32 s10, s29;
	s7 =	sadd.s32 s11, s29;
	s31 =	sadd.s32 $0x280, s29  }
0x12: {  	s8 =	sadd.s32 s10, s31;
	s9 =	sadd.s32 s11, s31;
	s10 =	sadd.s32 $0x18000, s13  }
0x13: {  	s11 =	smax.u32 s14, $0x1;
	s13 =	simm.s32 $0x80;
	s14 =	simm.s32 $0x2800  }
.LBB2_1:
0x14: {  	[tilespmem:s4], [sflag:$0x3] =	stream.linear.gather [hbm4b:s6+s4], $0x1400, $0x38;
	[tilespmem:$0x1E800] =	vst v63  }
0x15: {  	_ =	swait.ge [sflag:s12], $0x1400  }
0x16: {  	[sflag:s12] =	ssyncset.done $0x0  }
0x17: {  	[sflag:s12] =	ssyncadd.s32 $0xFFFFEC00  }
0x18: {  	[tilespmem:s14], [sflag:$0x1] =	stream.indirect.gather [hbm4b:s1+s13], $0x80, s4, s13, $0xb8;
	[tilespmem:$0x1E800] =	vst v63  }
0x19: {  	_ = 	snop  }
0x1a: {  	[tilespmem:s15], [sflag:$0x3] =	stream.linear.gather [hbm4b:s7+s4], $0x1400, $0x38;
	[tilespmem:$0x1E800] =	vst v63  }
0x1b: {  	_ =	swait.ge [sflag:s12], $0x1400  }
0x1c: {  	[sflag:s12] =	ssyncset.done $0x0  }
0x1d: {  	[sflag:s12] =	ssyncadd.s32 $0xFFFFEC00  }
0x1e: {  	[spmem:s17], [sflag:s16] =	dma.local [hbm:s5], $0x2800  }
0x1f: {  	_ =	swait.ge [sflag:s12], $0x2800  }
0x20: {  	[sflag:s12] =	ssyncset.done $0x0  }
0x21: {  	[sflag:s12] =	ssyncadd.s32 $0xFFFFD800  }
0x22: {  	s25 =	simm.s32 $0x80;
	[bflag:$0x0] =	sbarrier.arrive $0xFFFF  }
0x23: {  	[tilespmem:s18], [sflag:$0x2] =	stream.indirect.gather [hbm4b:s1+s13], $0x80, s25, s13, $0xb8;
	[tilespmem:$0x1E800] =	vst v63  }
0x24: {  	_ =	swait.ge [sflag:s19], $0x4000  }
0x25: {  	[sflag:s19] =	ssyncset.done $0x0  }
0x26: {  	s29 =	simm.s32 $0x1400;
	[sflag:s19] =	ssyncadd.s32 $0xFFFFC000  }
0x27: {  	[spmem:s2] =	stream.indirect.scatter.add.f32 [tilespmem:s14], [sflag:$0x3], $0x80, s29, s13, $0xb8;
	[tilespmem:$0x1E800] =	vst v63  }
0x28: {  	_ =	swait.ge [sflag:s12], $0x4000  }
0x29: {  	[sflag:s12] =	ssyncset.done $0x0  }
0x2a: {  	s30 =	simm.s32 $0x100;
	[sflag:s12] =	ssyncadd.s32 $0xFFFFC000  }
0x2b: {  	[tilespmem:s14], [sflag:$0x1] =	stream.indirect.gather [hbm4b:s1+s13], $0x80, s30, s13, $0xb8;
	[tilespmem:$0x1E800] =	vst v63  }
0x2c: {  	_ =	swait.ge [sflag:s20], $0x4000  }
0x2d: {  	[sflag:s20] =	ssyncset.done $0x0  }
0x2e: {  	s31 =	simm.s32 $0x1480;
	[sflag:s20] =	ssyncadd.s32 $0xFFFFC000  }
0x2f: {  	[spmem:s2] =	stream.indirect.scatter.add.f32 [tilespmem:s18], [sflag:$0x3], $0x80, s31, s13, $0xb8;
	[tilespmem:$0x1E800] =	vst v63  }
0x30: {  	_ =	swait.ge [sflag:s12], $0x4000  }
0x31: {  	s26 =	simm.s32 $0x800;
	s25 =	simm.s32 $0x100;
	[sflag:s12] =	ssyncset.done $0x0  }
.LBB2_2:
0x32: {  	s28 =	sadd.s32 $0x80, s25  }
0x33: {  	[sflag:s12] =	ssyncadd.s32 $0xFFFFC000;
	s29 =	smov.u32 s26;
	s30 =	sadd.s32 $0x400, s26  }
0x34: {  	[tilespmem:s18], [sflag:$0x2] =	stream.indirect.gather [hbm4b:s1+s13], $0x80, s28, s13, $0xb8;
	[tilespmem:$0x1E800] =	vst v63  }
0x35: {  	p0 =	sne.s32 s26, $0x4800;
	_ =	swait.ge [sflag:s19], $0x4000  }
0x36: {  	[sflag:s19] =	ssyncset.done $0x0  }
0x37: {  	s26 =	sadd.s32 $0x1400, s25;
	[sflag:s19] =	ssyncadd.s32 $0xFFFFC000  }
0x38: {  	[spmem:s2] =	stream.indirect.scatter.add.f32 [tilespmem:s14], [sflag:$0x3], $0x80, s26, s13, $0xb8;
	[tilespmem:$0x1E800] =	vst v63  }
0x39: {  	_ =	swait.ge [sflag:s12], $0x4000  }
0x3a: {  	[sflag:s12] =	ssyncset.done $0x0  }
0x3b: {  	s26 =	sadd.s32 $0x100, s25;
	[sflag:s12] =	ssyncadd.s32 $0xFFFFC000  }
0x3c: {  	[tilespmem:s14], [sflag:$0x1] =	stream.indirect.gather [hbm4b:s1+s13], $0x80, s26, s13, $0xb8;
	[tilespmem:$0x1E800] =	vst v63  }
0x3d: {  	_ =	swait.ge [sflag:s20], $0x4000  }
.Ltmp0:
0x3e: {  	[sflag:s20] =	ssyncset.done $0x0;
	(pc) =	sbr.rel @p0 .LBB2_2-.Ltmp0, $4  }
0x3f: {  	s25 =	sadd.s32 $0x1480, s25;
	[sflag:s20] =	ssyncadd.s32 $0xFFFFC000  }
0x40: {  	[spmem:s2] =	stream.indirect.scatter.add.f32 [tilespmem:s18], [sflag:$0x3], $0x80, s25, s13, $0xb8;
	[tilespmem:$0x1E800] =	vst v63  }
0x41: {  	_ =	swait.ge [sflag:s12], $0x4000  }
0x42: {  	s26 =	smov.u32 s30;
	s25 =	sshra.s32 s29, $0x2;
	[sflag:s12] =	ssyncset.done $0x0  }
0x43: {  	s26 =	sadd.s32 $0x80, s25;
	[sflag:s12] =	ssyncadd.s32 $0xFFFFC000  }
0x44: {  	[tilespmem:s18], [sflag:$0x2] =	stream.indirect.gather [hbm4b:s1+s13], $0x80, s26, s13, $0xb8;
	[tilespmem:$0x1E800] =	vst v63  }
0x45: {  	_ =	swait.ge [sflag:s19], $0x4000  }
0x46: {  	[sflag:s19] =	ssyncset.done $0x0  }
0x47: {  	s29 =	sadd.s32 $0x1400, s25;
	[sflag:s19] =	ssyncadd.s32 $0xFFFFC000  }
0x48: {  	[spmem:s2] =	stream.indirect.scatter.add.f32 [tilespmem:s14], [sflag:$0x3], $0x80, s29, s13, $0xb8;
	[tilespmem:$0x1E800] =	vst v63  }
0x49: {  	_ =	swait.ge [sflag:s12], $0x4000  }
0x4a: {  	[sflag:s12] =	ssyncset.done $0x0  }
0x4b: {  	s30 =	sadd.s32 $0x100, s25;
	[sflag:s12] =	ssyncadd.s32 $0xFFFFC000  }
0x4c: {  	[tilespmem:s14], [sflag:$0x1] =	stream.indirect.gather [hbm4b:s1+s13], $0x80, s30, s13, $0xb8;
	[tilespmem:$0x1E800] =	vst v63  }
0x4d: {  	_ =	swait.ge [sflag:s20], $0x4000  }
0x4e: {  	[sflag:s20] =	ssyncset.done $0x0  }
0x4f: {  	s31 =	sadd.s32 $0x1480, s25;
	[sflag:s20] =	ssyncadd.s32 $0xFFFFC000  }
0x50: {  	[spmem:s2] =	stream.indirect.scatter.add.f32 [tilespmem:s18], [sflag:$0x3], $0x80, s31, s13, $0xb8;
	[tilespmem:$0x1E800] =	vst v63  }
0x51: {  	_ =	swait.ge [sflag:s12], $0x4000  }
0x52: {  	[sflag:s12] =	ssyncset.done $0x0  }
0x53: {  	[sflag:s12] =	ssyncadd.s32 $0xFFFFC000  }
0x54: {  	[tilespmem:s18], [sflag:$0x2] =	stream.indirect.gather [hbm4b:s1+s13], $0x80, s21, s13, $0xb8;
	[tilespmem:$0x1E800] =	vst v63  }
0x55: {  	_ =	swait.ge [sflag:s19], $0x4000  }
0x56: {  	[sflag:s19] =	ssyncset.done $0x0  }
0x57: {  	[sflag:s19] =	ssyncadd.s32 $0xFFFFC000  }
0x58: {  	[spmem:s2] =	stream.indirect.scatter.add.f32 [tilespmem:s14], [sflag:$0x3], $0x80, s22, s13, $0xb8;
	[tilespmem:$0x1E800] =	vst v63  }
0x59: {  	_ =	swait.ge [sflag:s12], $0x4000  }
0x5a: {  	[sflag:s12] =	ssyncset.done $0x0  }
0x5b: {  	[sflag:s12] =	ssyncadd.s32 $0xFFFFC000  }
0x5c: {  	_ =	swait.ge [sflag:s20], $0x4000  }
0x5d: {  	[sflag:s20] =	ssyncset.done $0x0  }
0x5e: {  	[sflag:s20] =	ssyncadd.s32 $0xFFFFC000  }
0x5f: {  	[spmem:s2] =	stream.indirect.scatter.add.f32 [tilespmem:s18], [sflag:$0x3], $0x80, s23, s13, $0xb8;
	[tilespmem:$0x1E800] =	vst v63  }
0x60: {  	_ =	swait.ge [sflag:s12], $0x4000  }
0x61: {  	[sflag:s12] =	ssyncset.done $0x0  }
0x62: {  	s26 =	simm.s32 $0x0;
	[sflag:s12] =	ssyncadd.s32 $0xFFFFC000  }
0x63: {  	[tilespmem:s26], [sflag:$0x3] =	stream.linear.gather [hbm4b:s8+s26], $0x1400, $0x38;
	[tilespmem:$0x1E800] =	vst v63  }
0x64: {  	_ =	swait.ge [sflag:s12], $0x1400  }
0x65: {  	[sflag:s12] =	ssyncset.done $0x0  }
0x66: {  	[sflag:s12] =	ssyncadd.s32 $0xFFFFEC00  }
0x67: {  	[tilespmem:s15], [sflag:$0x3] =	stream.linear.gather [hbm4b:s9+s26], $0x1400, $0x38;
	[tilespmem:$0x1E800] =	vst v63  }
0x68: {  	_ =	swait.ge [sflag:s12], $0x1400  }
0x69: {  	[sflag:s12] =	ssyncset.done $0x0  }
0x6a: {  	[sflag:s12] =	ssyncadd.s32 $0xFFFFEC00  }
0x6b: {  	[tilespmem:s14], [sflag:$0x1] =	stream.indirect.gather [hbm4b:s1+s13], $0x80, s26, s13, $0xb8;
	[tilespmem:$0x1E800] =	vst v63  }
0x6c: {  	s28 =	simm.s32 $0x80  }
0x6d: {  	[tilespmem:s18], [sflag:$0x2] =	stream.indirect.gather [hbm4b:s1+s13], $0x80, s28, s13, $0xb8;
	[tilespmem:$0x1E800] =	vst v63  }
0x6e: {  	_ =	swait.ge [sflag:s19], $0x4000  }
0x6f: {  	[sflag:s19] =	ssyncset.done $0x0  }
0x70: {  	s29 =	simm.s32 $0x1400;
	[sflag:s19] =	ssyncadd.s32 $0xFFFFC000  }
0x71: {  	[spmem:s2] =	stream.indirect.scatter.add.f32 [tilespmem:s14], [sflag:$0x3], $0x80, s29, s13, $0xb8;
	[tilespmem:$0x1E800] =	vst v63  }
0x72: {  	_ =	swait.ge [sflag:s12], $0x4000  }
0x73: {  	[sflag:s12] =	ssyncset.done $0x0  }
0x74: {  	s30 =	simm.s32 $0x100;
	[sflag:s12] =	ssyncadd.s32 $0xFFFFC000  }
0x75: {  	[tilespmem:s14], [sflag:$0x1] =	stream.indirect.gather [hbm4b:s1+s13], $0x80, s30, s13, $0xb8;
	[tilespmem:$0x1E800] =	vst v63  }
0x76: {  	_ =	swait.ge [sflag:s20], $0x4000  }
0x77: {  	[sflag:s20] =	ssyncset.done $0x0  }
0x78: {  	s31 =	simm.s32 $0x1480;
	[sflag:s20] =	ssyncadd.s32 $0xFFFFC000  }
0x79: {  	[spmem:s2] =	stream.indirect.scatter.add.f32 [tilespmem:s18], [sflag:$0x3], $0x80, s31, s13, $0xb8;
	[tilespmem:$0x1E800] =	vst v63  }
0x7a: {  	_ =	swait.ge [sflag:s12], $0x4000  }
0x7b: {  	s25 =	simm.s32 $0x100;
	s26 =	simm.s32 $0x800;
	[sflag:s12] =	ssyncset.done $0x0  }
.LBB2_4:
0x7c: {  	s28 =	sadd.s32 $0x80, s25  }
0x7d: {  	[sflag:s12] =	ssyncadd.s32 $0xFFFFC000;
	s29 =	smov.u32 s26;
	s30 =	sadd.s32 $0x400, s26  }
0x7e: {  	[tilespmem:s18], [sflag:$0x2] =	stream.indirect.gather [hbm4b:s1+s13], $0x80, s28, s13, $0xb8;
	[tilespmem:$0x1E800] =	vst v63  }
0x7f: {  	p0 =	sne.s32 s26, $0x4800;
	_ =	swait.ge [sflag:s19], $0x4000  }
0x80: {  	[sflag:s19] =	ssyncset.done $0x0  }
0x81: {  	s26 =	sadd.s32 $0x1400, s25;
	[sflag:s19] =	ssyncadd.s32 $0xFFFFC000  }
0x82: {  	[spmem:s2] =	stream.indirect.scatter.add.f32 [tilespmem:s14], [sflag:$0x3], $0x80, s26, s13, $0xb8;
	[tilespmem:$0x1E800] =	vst v63  }
0x83: {  	_ =	swait.ge [sflag:s12], $0x4000  }
0x84: {  	[sflag:s12] =	ssyncset.done $0x0  }
0x85: {  	s26 =	sadd.s32 $0x100, s25;
	[sflag:s12] =	ssyncadd.s32 $0xFFFFC000  }
0x86: {  	[tilespmem:s14], [sflag:$0x1] =	stream.indirect.gather [hbm4b:s1+s13], $0x80, s26, s13, $0xb8;
	[tilespmem:$0x1E800] =	vst v63  }
0x87: {  	_ =	swait.ge [sflag:s20], $0x4000  }
.Ltmp1:
0x88: {  	[sflag:s20] =	ssyncset.done $0x0;
	(pc) =	sbr.rel @p0 .LBB2_4-.Ltmp1, $4  }
0x89: {  	s25 =	sadd.s32 $0x1480, s25;
	[sflag:s20] =	ssyncadd.s32 $0xFFFFC000  }
0x8a: {  	[spmem:s2] =	stream.indirect.scatter.add.f32 [tilespmem:s18], [sflag:$0x3], $0x80, s25, s13, $0xb8;
	[tilespmem:$0x1E800] =	vst v63  }
0x8b: {  	_ =	swait.ge [sflag:s12], $0x4000  }
0x8c: {  	s26 =	smov.u32 s30;
	s25 =	sshra.s32 s29, $0x2;
	[sflag:s12] =	ssyncset.done $0x0  }
0x8d: {  	s26 =	sadd.s32 $0x80, s25;
	[sflag:s12] =	ssyncadd.s32 $0xFFFFC000  }
0x8e: {  	[tilespmem:s18], [sflag:$0x2] =	stream.indirect.gather [hbm4b:s1+s13], $0x80, s26, s13, $0xb8;
	[tilespmem:$0x1E800] =	vst v63  }
0x8f: {  	_ =	swait.ge [sflag:s19], $0x4000  }
0x90: {  	[sflag:s19] =	ssyncset.done $0x0  }
0x91: {  	s29 =	sadd.s32 $0x1400, s25;
	[sflag:s19] =	ssyncadd.s32 $0xFFFFC000  }
0x92: {  	[spmem:s2] =	stream.indirect.scatter.add.f32 [tilespmem:s14], [sflag:$0x3], $0x80, s29, s13, $0xb8;
	[tilespmem:$0x1E800] =	vst v63  }
0x93: {  	_ =	swait.ge [sflag:s12], $0x4000  }
0x94: {  	[sflag:s12] =	ssyncset.done $0x0  }
0x95: {  	s30 =	sadd.s32 $0x100, s25;
	[sflag:s12] =	ssyncadd.s32 $0xFFFFC000  }
0x96: {  	[tilespmem:s14], [sflag:$0x1] =	stream.indirect.gather [hbm4b:s1+s13], $0x80, s30, s13, $0xb8;
	[tilespmem:$0x1E800] =	vst v63  }
0x97: {  	_ =	swait.ge [sflag:s20], $0x4000  }
0x98: {  	[sflag:s20] =	ssyncset.done $0x0  }
0x99: {  	s31 =	sadd.s32 $0x1480, s25;
	[sflag:s20] =	ssyncadd.s32 $0xFFFFC000  }
0x9a: {  	[spmem:s2] =	stream.indirect.scatter.add.f32 [tilespmem:s18], [sflag:$0x3], $0x80, s31, s13, $0xb8;
	[tilespmem:$0x1E800] =	vst v63  }
0x9b: {  	_ =	swait.ge [sflag:s12], $0x4000  }
0x9c: {  	[sflag:s12] =	ssyncset.done $0x0  }
0x9d: {  	[sflag:s12] =	ssyncadd.s32 $0xFFFFC000  }
0x9e: {  	[tilespmem:s18], [sflag:$0x2] =	stream.indirect.gather [hbm4b:s1+s13], $0x80, s21, s13, $0xb8;
	[tilespmem:$0x1E800] =	vst v63  }
0x9f: {  	_ =	swait.ge [sflag:s19], $0x4000  }
0xa0: {  	[sflag:s19] =	ssyncset.done $0x0  }
0xa1: {  	[sflag:s19] =	ssyncadd.s32 $0xFFFFC000  }
0xa2: {  	[spmem:s2] =	stream.indirect.scatter.add.f32 [tilespmem:s14], [sflag:$0x3], $0x80, s22, s13, $0xb8;
	[tilespmem:$0x1E800] =	vst v63  }
0xa3: {  	_ =	swait.ge [sflag:s12], $0x4000  }
0xa4: {  	[sflag:s12] =	ssyncset.done $0x0  }
0xa5: {  	[sflag:s12] =	ssyncadd.s32 $0xFFFFC000  }
0xa6: {  	_ =	swait.ge [sflag:s20], $0x4000  }
0xa7: {  	[sflag:s20] =	ssyncset.done $0x0  }
0xa8: {  	[sflag:s20] =	ssyncadd.s32 $0xFFFFC000  }
0xa9: {  	[spmem:s2] =	stream.indirect.scatter.add.f32 [tilespmem:s18], [sflag:$0x3], $0x80, s23, s13, $0xb8;
	[tilespmem:$0x1E800] =	vst v63  }
0xaa: {  	_ =	swait.ge [sflag:s12], $0x4000  }
0xab: {  	s24 =	sadd.s32 $0x1, s24;
	[sflag:s12] =	ssyncset.done $0x0  }
0xac: {  	p0 =	sne.s32 s24, s11;
	[sflag:s12] =	ssyncadd.s32 $0xFFFFC000  }
.Ltmp2:
0xad: {  	[bflag:$0x0] =	sbarrier.arrive $0xFFFF;
	(pc) =	sbr.rel @p0 .LBB2_1-.Ltmp2, $4  }
0xae: {  	[hbm:s10], [sflag:s16] =	dma.local [spmem:s17], $0x2800  }
0xaf: {  	_ =	swait.ge [sflag:s12], $0x2800  }
0xb0: {  	[sflag:s12] =	ssyncset.done $0x0  }
0xb1: {  	[sflag:s12] =	ssyncadd.s32 $0xFFFFD800  }
0xb2: {  	_ =	sfence.sel $0x180000  }
0xb3: {  	[bflag:$0x0] =	sbarrier.arrive $0xFFFF  }
0xb4: {  	p0 =	sne.s32 s3, $0x0;
	_ =	strace $0x90000047  }
0xb5: {  	s0 =	sadd.s32 @!p0 $0x100000, s0;
	[bflag:$0x2] =	sbarrier.arrive $0xFFFF  }
0xb6: {  	[sflag:s0] =	ssyncadd.tile.s32 @!p0 $0x1;
	_ =	shalt  }
.Lfunc_end2:
_tile_overlayer_lowered:
.L_overlay_start_2:
0xb7: {  	(tag) =	ssettag $0x2  }
0xb8: {  	s0 =	rddreg [dreg:$0x0];
	s2 =	stileid.u32  }
0xb9: {  	s1 =	rddreg [dreg:$0x1];
	p0 =	sne.s32 s2, $0x0  }
0xba: {  	s3 =	rddreg [dreg:$0x2];
	[bflag:$0x3] =	sbarrier.arrive $0xFFFF;
	s2 =	simm.s32 @!p0 $0x1C03  }
0xbb: {  	[timem:s3], [sflag:s2] =	dma.local @!p0 [hbm:s0], s1  }
0xbc: {  	s0 =	simm.s32 @!p0 $0x3  }
0xbd: {  	_ =	swait.ge @!p0 [sflag:s0], s1  }
0xbe: {  	s1 =	ssub.s32 @!p0 $0x0, s1;
	[sflag:s0] =	ssyncset.done @!p0 $0x0  }
0xbf: {  	[sflag:s0] =	ssyncadd.s32 @!p0 s1  }
0xc0: {  	[bflag:$0x3] =	sbarrier.arrive $0xFFFF  }
0xc1: {  	_ =	shalt  }

</sc_bundles>
